<compile_context>
chip_gen: v7x
topology: tpu7x:2x2x1
jax: 0.10.2.dev20260603
libtpu: 0.0.44.dev20260713+nightly
codegen_flags: <defaults>
</compile_context>

<pallas_src>
import functools

import jax
import jax.numpy as jnp
from jax import lax
from jax.experimental import pallas as pl
from jax.experimental.pallas import tpu as pltpu
from jax.experimental.pallas import tpu_sc as plsc

WIDTH_FULL = 17
WIDTH_PLAYABLE = 15
HEIGHT = 11
NUM_TYPES = 4
EMB_DIM = 8
OUT_W = EMB_DIM + 6

_NC = 2
_NS = 16
_NW = _NC * _NS
_L = 16
_GROUPS = 1


def _hex_features(h):
    y = (h * 241) >> 12
    x = h - y * WIDTH_FULL
    xc = jnp.minimum(x, WIDTH_PLAYABLE - 1)
    yc = jnp.minimum(y, HEIGHT - 1)
    vf = jnp.where(h >= 0, 1.0, 0.0).astype(jnp.float32)
    fx = xc.astype(jnp.float32) * (1.0 / (WIDTH_PLAYABLE - 1))
    fy = yc.astype(jnp.float32) * (1.0 / (HEIGHT - 1))
    return fx * vf, fy * vf, vf


def _make_kernel(batch):
    b_per_w = batch // _NW
    g_cols = b_per_w // _GROUPS
    n_chunks_g = g_cols // _L
    mesh = plsc.VectorSubcoreMesh(core_axis_name="c", subcore_axis_name="s")

    @functools.partial(
        pl.kernel,
        mesh=mesh,
        out_type=jax.ShapeDtypeStruct((OUT_W, batch), jnp.float32),
        compiler_params=pltpu.CompilerParams(needs_layout_passes=False),
        scratch_types=[
            pltpu.VMEM((b_per_w,), jnp.int32),
            pltpu.VMEM((b_per_w,), jnp.int32),
            pltpu.VMEM((b_per_w,), jnp.int32),
            pltpu.VMEM((2, _L), jnp.float32),
            pltpu.VMEM((OUT_W, b_per_w), jnp.float32),
            pltpu.SemaphoreType.DMA,
            pltpu.SemaphoreType.DMA,
            pltpu.SemaphoreType.DMA,
            pltpu.SemaphoreType.DMA,
            [pltpu.SemaphoreType.DMA] * _GROUPS,
        ],
    )
    def k(t_hbm, h1_hbm, h2_hbm, tab_hbm, out_hbm, t_v, h1_v, h2_v, tab_v,
          out_v, sem_t, sem_h1, sem_h2, sem_tab, sem_g):
        wid = lax.axis_index("s") * _NC + lax.axis_index("c")
        base = wid * b_per_w
        cp_t = pltpu.async_copy(t_hbm.at[pl.ds(base, b_per_w)], t_v, sem_t)
        cp_h1 = pltpu.async_copy(h1_hbm.at[pl.ds(base, b_per_w)], h1_v, sem_h1)
        cp_h2 = pltpu.async_copy(h2_hbm.at[pl.ds(base, b_per_w)], h2_v, sem_h2)
        cp_tabs = [
            pltpu.async_copy(
                tab_hbm.at[r, :],
                tab_v.at[r // 2, pl.ds((r % 2) * EMB_DIM, EMB_DIM)],
                sem_tab)
            for r in range(NUM_TYPES)
        ]
        cp_t.wait()
        cp_h1.wait()
        cp_h2.wait()
        for cp in cp_tabs:
            cp.wait()

        rows = [tab_v[0, :], tab_v[1, :]]
        tab_b = [[jnp.full((_L,), 0.0, jnp.float32)
                  + rows[(r * EMB_DIM + j) // _L][(r * EMB_DIM + j) % _L]
                  for j in range(EMB_DIM)] for r in range(NUM_TYPES)]
        out_cps = []
        for g in range(_GROUPS):
            @pl.loop(0, n_chunks_g, unroll=1)
            def _chunk(cg, g=g):
                sl = pl.ds((g * n_chunks_g + cg) * _L, _L)
                t = t_v[sl]
                m0 = (t & 1) == 1
                m1 = t >= 2
                for j in range(EMB_DIM):
                    lo = jnp.where(m0, tab_b[1][j], tab_b[0][j])
                    hi = jnp.where(m0, tab_b[3][j], tab_b[2][j])
                    out_v[j, sl] = jnp.where(m1, hi, lo)
                fx1, fy1, v1 = _hex_features(h1_v[sl])
                fx2, fy2, v2 = _hex_features(h2_v[sl])
                out_v[EMB_DIM, sl] = fx1
                out_v[EMB_DIM + 1, sl] = fy1
                out_v[EMB_DIM + 2, sl] = v1
                out_v[EMB_DIM + 3, sl] = fx2
                out_v[EMB_DIM + 4, sl] = fy2
                out_v[EMB_DIM + 5, sl] = v2
            g_off = g * g_cols
            out_cps.append(pltpu.async_copy(
                out_v.at[:, pl.ds(g_off, g_cols)],
                out_hbm.at[:, pl.ds(base + g_off, g_cols)],
                sem_g[g]))
        for cp in out_cps:
            cp.wait()

    return k


def kernel(type_idx, hex1, hex2, type_emb):
    batch = type_idx.shape[0]
    k = _make_kernel(batch)
    out_t = k(
        type_idx.astype(jnp.int32),
        hex1.astype(jnp.int32),
        hex2.astype(jnp.int32),
        type_emb.astype(jnp.float32),
    )
    return out_t.T

# --- scband reference (transcript-rebuilt; emitter-appended) ---
"""Pipeline reference for scband-action-encoder-63745904608191 (READ-ONLY COPY).

The authoritative reference and input builder live on the scoring server;
editing this copy changes nothing except your own understanding.
"""

import jax, jax.numpy as jnp
import numpy as np

WIDTH_FULL = 17
WIDTH_PLAYABLE = 15
HEIGHT = 11
NUM_TYPES = 4
EMB_DIM = 8
BATCH = 16384

def encode_hex_fields(hex_idx):
    # hex_idx: int array [B]. Returns float32 [B, 3]: (norm_x, norm_y, valid)
    valid = (hex_idx >= 0)
    x = hex_idx % WIDTH_FULL
    y = hex_idx // WIDTH_FULL
    fx = jnp.clip(x, 0, WIDTH_PLAYABLE - 1).astype(jnp.float32) / (WIDTH_PLAYABLE - 1)
    fy = jnp.clip(y, 0, HEIGHT - 1).astype(jnp.float32) / (HEIGHT - 1)
    v = valid.astype(jnp.float32)
    return jnp.stack([fx * v, fy * v, v], axis=-1)

def setup_inputs(seed: int = 0) -> dict:
    key = jax.random.key(seed)
    k1, k2, k3, k4 = jax.random.split(key, 4)
    type_idx = jax.random.randint(k1, (BATCH,), 0, NUM_TYPES, dtype=jnp.int64 if jax.config.read('jax_enable_x64') else jnp.int32)
    hex1 = jax.random.randint(k2, (BATCH,), 0, WIDTH_FULL * HEIGHT, dtype=type_idx.dtype)
    hex2 = jax.random.randint(k3, (BATCH,), 0, WIDTH_FULL * HEIGHT, dtype=type_idx.dtype)
    type_emb = jax.random.normal(k4, (NUM_TYPES, EMB_DIM), dtype=jnp.float32)
    return {"type_idx": type_idx, "hex1": hex1, "hex2": hex2, "type_emb": type_emb}

def reference(type_idx, hex1, hex2, type_emb):
    # Faithful vectorized translation of ActionEncoder.forward:
    # per action: concat(embedding[type], encode_hex(hex1), encode_hex(hex2))
    e_t = jnp.take(type_emb, type_idx, axis=0)          # [B, EMB_DIM] gather
    f1 = encode_hex_fields(hex1)                        # [B, 3]
    f2 = encode_hex_fields(hex2)                        # [B, 3]
    return jnp.concatenate([e_t, f1, f2], axis=-1)      # [B, EMB_DIM + 6]

if __name__ == "__main__":
    import jax
    _d = setup_inputs()
    print(jax.jit(kernel)(*tuple(_d.values())))

</pallas_src>

<mosaic_0001>
#map = affine_map<(d0, d1) -> (0)>
#map1 = affine_map<(d0, d1) -> (0, 0)>
module attributes {stable_mosaic.version = 14 : i64} {
  func.func @k(%arg0: i32, %arg1: i32, %arg2: memref<16384xi32, #tpu.memory_space<hbm>>, %arg3: memref<16384xi32, #tpu.memory_space<hbm>>, %arg4: memref<16384xi32, #tpu.memory_space<hbm>>, %arg5: memref<4x8xf32, #tpu.memory_space<hbm>>, %arg6: memref<14x16384xf32, #tpu.memory_space<hbm>>, %arg7: memref<512xi32, #tpu.memory_space<vmem>>, %arg8: memref<512xi32, #tpu.memory_space<vmem>>, %arg9: memref<512xi32, #tpu.memory_space<vmem>>, %arg10: memref<2x16xf32, #tpu.memory_space<vmem>>, %arg11: memref<14x512xf32, #tpu.memory_space<vmem>>, %arg12: memref<!tpu.dma_semaphore, #tpu.memory_space<semaphore_mem>>, %arg13: memref<!tpu.dma_semaphore, #tpu.memory_space<semaphore_mem>>, %arg14: memref<!tpu.dma_semaphore, #tpu.memory_space<semaphore_mem>>, %arg15: memref<!tpu.dma_semaphore, #tpu.memory_space<semaphore_mem>>, %arg16: memref<!tpu.dma_semaphore, #tpu.memory_space<semaphore_mem>>) attributes {dimension_semantics = [#tpu.dimension_semantics<core_parallel>, #tpu.dimension_semantics<subcore_parallel>], iteration_bounds = array<i64: 2, 16>, scalar_prefetch = 0 : i64, scratch_operands = 10 : i64, tpu.core_type = #tpu.core_type<sc_vector_subcore>, window_params = [{transform_indices = #map}, {transform_indices = #map}, {transform_indices = #map}, {transform_indices = #map1}, {transform_indices = #map1}]} {
    %mul3A = arith.constant 2 : i32
    %mul3A_0 = arith.muli %arg1, %mul3A : i32
    %add3A = arith.addi %mul3A_0, %arg0 : i32
    %mul3A_1 = arith.constant 512 : i32
    %mul3A_2 = arith.muli %add3A, %mul3A_1 : i32
    %dma_start3A = tpu.memref_slice %arg2[%mul3A_2] : memref<16384xi32, #tpu.memory_space<hbm>> -> memref<512xi32, #tpu.memory_space<hbm>>
    %dma_start3A_3 = tpu.memref_slice %arg2[%mul3A_2] : memref<16384xi32, #tpu.memory_space<hbm>> -> memref<512xi32, #tpu.memory_space<hbm>>
    tpu.enqueue_dma source(%dma_start3A_3 : memref<512xi32, #tpu.memory_space<hbm>>) target(%arg7 : memref<512xi32, #tpu.memory_space<vmem>>) target_semaphore(%arg12 : memref<!tpu.dma_semaphore, #tpu.memory_space<semaphore_mem>>)
    %dma_start3A_4 = tpu.memref_slice %arg3[%mul3A_2] : memref<16384xi32, #tpu.memory_space<hbm>> -> memref<512xi32, #tpu.memory_space<hbm>>
    %dma_start3A_5 = tpu.memref_slice %arg3[%mul3A_2] : memref<16384xi32, #tpu.memory_space<hbm>> -> memref<512xi32, #tpu.memory_space<hbm>>
    tpu.enqueue_dma source(%dma_start3A_5 : memref<512xi32, #tpu.memory_space<hbm>>) target(%arg8 : memref<512xi32, #tpu.memory_space<vmem>>) target_semaphore(%arg13 : memref<!tpu.dma_semaphore, #tpu.memory_space<semaphore_mem>>)
    %dma_start3A_6 = tpu.memref_slice %arg4[%mul3A_2] : memref<16384xi32, #tpu.memory_space<hbm>> -> memref<512xi32, #tpu.memory_space<hbm>>
    %dma_start3A_7 = tpu.memref_slice %arg4[%mul3A_2] : memref<16384xi32, #tpu.memory_space<hbm>> -> memref<512xi32, #tpu.memory_space<hbm>>
    tpu.enqueue_dma source(%dma_start3A_7 : memref<512xi32, #tpu.memory_space<hbm>>) target(%arg9 : memref<512xi32, #tpu.memory_space<vmem>>) target_semaphore(%arg14 : memref<!tpu.dma_semaphore, #tpu.memory_space<semaphore_mem>>)
    %dma_start3A_8 = arith.constant 0 : i32
    %dma_start3A_9 = arith.constant 0 : i32
    %dma_start3A_10 = arith.constant 0 : i32
    %dma_start3A_11 = tpu.memref_slice %arg10[%dma_start3A_9, %dma_start3A_10] : memref<2x16xf32, #tpu.memory_space<vmem>> -> memref<1x8xf32, #tpu.memory_space<vmem>>
    %dma_start3A_12 = tpu.memref_squeeze %dma_start3A_11 : memref<1x8xf32, #tpu.memory_space<vmem>> -> memref<8xf32, #tpu.memory_space<vmem>>
    %dma_start3A_13 = arith.constant 0 : i32
    %dma_start3A_14 = tpu.memref_slice %arg5[%dma_start3A_8, %dma_start3A_13] : memref<4x8xf32, #tpu.memory_space<hbm>> -> memref<1x8xf32, #tpu.memory_space<hbm>>
    %dma_start3A_15 = tpu.memref_squeeze %dma_start3A_14 : memref<1x8xf32, #tpu.memory_space<hbm>> -> memref<8xf32, #tpu.memory_space<hbm>>
    %dma_start3A_16 = arith.constant 0 : i32
    %dma_start3A_17 = tpu.memref_slice %arg10[%dma_start3A_9, %dma_start3A_16] : memref<2x16xf32, #tpu.memory_space<vmem>> -> memref<1x8xf32, #tpu.memory_space<vmem>>
    %dma_start3A_18 = tpu.memref_squeeze %dma_start3A_17 : memref<1x8xf32, #tpu.memory_space<vmem>> -> memref<8xf32, #tpu.memory_space<vmem>>
    %dma_start3A_19 = arith.constant 0 : i32
    %dma_start3A_20 = tpu.memref_slice %arg5[%dma_start3A_8, %dma_start3A_19] : memref<4x8xf32, #tpu.memory_space<hbm>> -> memref<1x8xf32, #tpu.memory_space<hbm>>
    %dma_start3A_21 = tpu.memref_squeeze %dma_start3A_20 : memref<1x8xf32, #tpu.memory_space<hbm>> -> memref<8xf32, #tpu.memory_space<hbm>>
    tpu.enqueue_dma source(%dma_start3A_21 : memref<8xf32, #tpu.memory_space<hbm>>) target(%dma_start3A_18 : memref<8xf32, #tpu.memory_space<vmem>>) target_semaphore(%arg15 : memref<!tpu.dma_semaphore, #tpu.memory_space<semaphore_mem>>)
    %dma_start3A_22 = arith.constant 1 : i32
    %dma_start3A_23 = arith.constant 0 : i32
    %dma_start3A_24 = arith.constant 8 : i32
    %dma_start3A_25 = tpu.memref_slice %arg10[%dma_start3A_23, %dma_start3A_24] : memref<2x16xf32, #tpu.memory_space<vmem>> -> memref<1x8xf32, #tpu.memory_space<vmem>>
    %dma_start3A_26 = tpu.memref_squeeze %dma_start3A_25 : memref<1x8xf32, #tpu.memory_space<vmem>> -> memref<8xf32, #tpu.memory_space<vmem>>
    %dma_start3A_27 = arith.constant 0 : i32
    %dma_start3A_28 = tpu.memref_slice %arg5[%dma_start3A_22, %dma_start3A_27] : memref<4x8xf32, #tpu.memory_space<hbm>> -> memref<1x8xf32, #tpu.memory_space<hbm>>
    %dma_start3A_29 = tpu.memref_squeeze %dma_start3A_28 : memref<1x8xf32, #tpu.memory_space<hbm>> -> memref<8xf32, #tpu.memory_space<hbm>>
    %dma_start3A_30 = arith.constant 8 : i32
    %dma_start3A_31 = tpu.memref_slice %arg10[%dma_start3A_23, %dma_start3A_30] : memref<2x16xf32, #tpu.memory_space<vmem>> -> memref<1x8xf32, #tpu.memory_space<vmem>>
    %dma_start3A_32 = tpu.memref_squeeze %dma_start3A_31 : memref<1x8xf32, #tpu.memory_space<vmem>> -> memref<8xf32, #tpu.memory_space<vmem>>
    %dma_start3A_33 = arith.constant 0 : i32
    %dma_start3A_34 = tpu.memref_slice %arg5[%dma_start3A_22, %dma_start3A_33] : memref<4x8xf32, #tpu.memory_space<hbm>> -> memref<1x8xf32, #tpu.memory_space<hbm>>
    %dma_start3A_35 = tpu.memref_squeeze %dma_start3A_34 : memref<1x8xf32, #tpu.memory_space<hbm>> -> memref<8xf32, #tpu.memory_space<hbm>>
    tpu.enqueue_dma source(%dma_start3A_35 : memref<8xf32, #tpu.memory_space<hbm>>) target(%dma_start3A_32 : memref<8xf32, #tpu.memory_space<vmem>>) target_semaphore(%arg15 : memref<!tpu.dma_semaphore, #tpu.memory_space<semaphore_mem>>)
    %dma_start3A_36 = arith.constant 2 : i32
    %dma_start3A_37 = arith.constant 1 : i32
    %dma_start3A_38 = arith.constant 0 : i32
    %dma_start3A_39 = tpu.memref_slice %arg10[%dma_start3A_37, %dma_start3A_38] : memref<2x16xf32, #tpu.memory_space<vmem>> -> memref<1x8xf32, #tpu.memory_space<vmem>>
    %dma_start3A_40 = tpu.memref_squeeze %dma_start3A_39 : memref<1x8xf32, #tpu.memory_space<vmem>> -> memref<8xf32, #tpu.memory_space<vmem>>
    %dma_start3A_41 = arith.constant 0 : i32
    %dma_start3A_42 = tpu.memref_slice %arg5[%dma_start3A_36, %dma_start3A_41] : memref<4x8xf32, #tpu.memory_space<hbm>> -> memref<1x8xf32, #tpu.memory_space<hbm>>
    %dma_start3A_43 = tpu.memref_squeeze %dma_start3A_42 : memref<1x8xf32, #tpu.memory_space<hbm>> -> memref<8xf32, #tpu.memory_space<hbm>>
    %dma_start3A_44 = arith.constant 0 : i32
    %dma_start3A_45 = tpu.memref_slice %arg10[%dma_start3A_37, %dma_start3A_44] : memref<2x16xf32, #tpu.memory_space<vmem>> -> memref<1x8xf32, #tpu.memory_space<vmem>>
    %dma_start3A_46 = tpu.memref_squeeze %dma_start3A_45 : memref<1x8xf32, #tpu.memory_space<vmem>> -> memref<8xf32, #tpu.memory_space<vmem>>
    %dma_start3A_47 = arith.constant 0 : i32
    %dma_start3A_48 = tpu.memref_slice %arg5[%dma_start3A_36, %dma_start3A_47] : memref<4x8xf32, #tpu.memory_space<hbm>> -> memref<1x8xf32, #tpu.memory_space<hbm>>
    %dma_start3A_49 = tpu.memref_squeeze %dma_start3A_48 : memref<1x8xf32, #tpu.memory_space<hbm>> -> memref<8xf32, #tpu.memory_space<hbm>>
    tpu.enqueue_dma source(%dma_start3A_49 : memref<8xf32, #tpu.memory_space<hbm>>) target(%dma_start3A_46 : memref<8xf32, #tpu.memory_space<vmem>>) target_semaphore(%arg15 : memref<!tpu.dma_semaphore, #tpu.memory_space<semaphore_mem>>)
    %dma_start3A_50 = arith.constant 3 : i32
    %dma_start3A_51 = arith.constant 1 : i32
    %dma_start3A_52 = arith.constant 8 : i32
    %dma_start3A_53 = tpu.memref_slice %arg10[%dma_start3A_51, %dma_start3A_52] : memref<2x16xf32, #tpu.memory_space<vmem>> -> memref<1x8xf32, #tpu.memory_space<vmem>>
    %dma_start3A_54 = tpu.memref_squeeze %dma_start3A_53 : memref<1x8xf32, #tpu.memory_space<vmem>> -> memref<8xf32, #tpu.memory_space<vmem>>
    %dma_start3A_55 = arith.constant 0 : i32
    %dma_start3A_56 = tpu.memref_slice %arg5[%dma_start3A_50, %dma_start3A_55] : memref<4x8xf32, #tpu.memory_space<hbm>> -> memref<1x8xf32, #tpu.memory_space<hbm>>
    %dma_start3A_57 = tpu.memref_squeeze %dma_start3A_56 : memref<1x8xf32, #tpu.memory_space<hbm>> -> memref<8xf32, #tpu.memory_space<hbm>>
    %dma_start3A_58 = arith.constant 8 : i32
    %dma_start3A_59 = tpu.memref_slice %arg10[%dma_start3A_51, %dma_start3A_58] : memref<2x16xf32, #tpu.memory_space<vmem>> -> memref<1x8xf32, #tpu.memory_space<vmem>>
    %dma_start3A_60 = tpu.memref_squeeze %dma_start3A_59 : memref<1x8xf32, #tpu.memory_space<vmem>> -> memref<8xf32, #tpu.memory_space<vmem>>
    %dma_start3A_61 = arith.constant 0 : i32
    %dma_start3A_62 = tpu.memref_slice %arg5[%dma_start3A_50, %dma_start3A_61] : memref<4x8xf32, #tpu.memory_space<hbm>> -> memref<1x8xf32, #tpu.memory_space<hbm>>
    %dma_start3A_63 = tpu.memref_squeeze %dma_start3A_62 : memref<1x8xf32, #tpu.memory_space<hbm>> -> memref<8xf32, #tpu.memory_space<hbm>>
    tpu.enqueue_dma source(%dma_start3A_63 : memref<8xf32, #tpu.memory_space<hbm>>) target(%dma_start3A_60 : memref<8xf32, #tpu.memory_space<vmem>>) target_semaphore(%arg15 : memref<!tpu.dma_semaphore, #tpu.memory_space<semaphore_mem>>)
    %dma_wait3A = tpu.memref_slice %arg2[%mul3A_2] : memref<16384xi32, #tpu.memory_space<hbm>> -> memref<512xi32, #tpu.memory_space<hbm>>
    %dma_wait3A_64 = tpu.memref_slice %arg2[%mul3A_2] : memref<16384xi32, #tpu.memory_space<hbm>> -> memref<512xi32, #tpu.memory_space<hbm>>
    tpu.wait_dma2 semaphore(%arg12 : memref<!tpu.dma_semaphore, #tpu.memory_space<semaphore_mem>>) src(%dma_wait3A_64 : memref<512xi32, #tpu.memory_space<hbm>>) dst(%arg7 : memref<512xi32, #tpu.memory_space<vmem>>)
    %dma_wait3A_65 = tpu.memref_slice %arg3[%mul3A_2] : memref<16384xi32, #tpu.memory_space<hbm>> -> memref<512xi32, #tpu.memory_space<hbm>>
    %dma_wait3A_66 = tpu.memref_slice %arg3[%mul3A_2] : memref<16384xi32, #tpu.memory_space<hbm>> -> memref<512xi32, #tpu.memory_space<hbm>>
    tpu.wait_dma2 semaphore(%arg13 : memref<!tpu.dma_semaphore, #tpu.memory_space<semaphore_mem>>) src(%dma_wait3A_66 : memref<512xi32, #tpu.memory_space<hbm>>) dst(%arg8 : memref<512xi32, #tpu.memory_space<vmem>>)
    %dma_wait3A_67 = tpu.memref_slice %arg4[%mul3A_2] : memref<16384xi32, #tpu.memory_space<hbm>> -> memref<512xi32, #tpu.memory_space<hbm>>
    %dma_wait3A_68 = tpu.memref_slice %arg4[%mul3A_2] : memref<16384xi32, #tpu.memory_space<hbm>> -> memref<512xi32, #tpu.memory_space<hbm>>
    tpu.wait_dma2 semaphore(%arg14 : memref<!tpu.dma_semaphore, #tpu.memory_space<semaphore_mem>>) src(%dma_wait3A_68 : memref<512xi32, #tpu.memory_space<hbm>>) dst(%arg9 : memref<512xi32, #tpu.memory_space<vmem>>)
    %dma_wait3A_69 = arith.constant 0 : i32
    %dma_wait3A_70 = arith.constant 0 : i32
    %dma_wait3A_71 = arith.constant 0 : i32
    %dma_wait3A_72 = tpu.memref_slice %arg10[%dma_wait3A_70, %dma_wait3A_71] : memref<2x16xf32, #tpu.memory_space<vmem>> -> memref<1x8xf32, #tpu.memory_space<vmem>>
    %dma_wait3A_73 = tpu.memref_squeeze %dma_wait3A_72 : memref<1x8xf32, #tpu.memory_space<vmem>> -> memref<8xf32, #tpu.memory_space<vmem>>
    %dma_wait3A_74 = arith.constant 0 : i32
    %dma_wait3A_75 = tpu.memref_slice %arg5[%dma_wait3A_69, %dma_wait3A_74] : memref<4x8xf32, #tpu.memory_space<hbm>> -> memref<1x8xf32, #tpu.memory_space<hbm>>
    %dma_wait3A_76 = tpu.memref_squeeze %dma_wait3A_75 : memref<1x8xf32, #tpu.memory_space<hbm>> -> memref<8xf32, #tpu.memory_space<hbm>>
    %dma_wait3A_77 = arith.constant 0 : i32
    %dma_wait3A_78 = tpu.memref_slice %arg10[%dma_wait3A_70, %dma_wait3A_77] : memref<2x16xf32, #tpu.memory_space<vmem>> -> memref<1x8xf32, #tpu.memory_space<vmem>>
    %dma_wait3A_79 = tpu.memref_squeeze %dma_wait3A_78 : memref<1x8xf32, #tpu.memory_space<vmem>> -> memref<8xf32, #tpu.memory_space<vmem>>
    %dma_wait3A_80 = arith.constant 0 : i32
    %dma_wait3A_81 = tpu.memref_slice %arg5[%dma_wait3A_69, %dma_wait3A_80] : memref<4x8xf32, #tpu.memory_space<hbm>> -> memref<1x8xf32, #tpu.memory_space<hbm>>
    %dma_wait3A_82 = tpu.memref_squeeze %dma_wait3A_81 : memref<1x8xf32, #tpu.memory_space<hbm>> -> memref<8xf32, #tpu.memory_space<hbm>>
    tpu.wait_dma2 semaphore(%arg15 : memref<!tpu.dma_semaphore, #tpu.memory_space<semaphore_mem>>) src(%dma_wait3A_82 : memref<8xf32, #tpu.memory_space<hbm>>) dst(%dma_wait3A_79 : memref<8xf32, #tpu.memory_space<vmem>>)
    %dma_wait3A_83 = arith.constant 1 : i32
    %dma_wait3A_84 = arith.constant 0 : i32
    %dma_wait3A_85 = arith.constant 8 : i32
    %dma_wait3A_86 = tpu.memref_slice %arg10[%dma_wait3A_84, %dma_wait3A_85] : memref<2x16xf32, #tpu.memory_space<vmem>> -> memref<1x8xf32, #tpu.memory_space<vmem>>
    %dma_wait3A_87 = tpu.memref_squeeze %dma_wait3A_86 : memref<1x8xf32, #tpu.memory_space<vmem>> -> memref<8xf32, #tpu.memory_space<vmem>>
    %dma_wait3A_88 = arith.constant 0 : i32
    %dma_wait3A_89 = tpu.memref_slice %arg5[%dma_wait3A_83, %dma_wait3A_88] : memref<4x8xf32, #tpu.memory_space<hbm>> -> memref<1x8xf32, #tpu.memory_space<hbm>>
    %dma_wait3A_90 = tpu.memref_squeeze %dma_wait3A_89 : memref<1x8xf32, #tpu.memory_space<hbm>> -> memref<8xf32, #tpu.memory_space<hbm>>
    %dma_wait3A_91 = arith.constant 8 : i32
    %dma_wait3A_92 = tpu.memref_slice %arg10[%dma_wait3A_84, %dma_wait3A_91] : memref<2x16xf32, #tpu.memory_space<vmem>> -> memref<1x8xf32, #tpu.memory_space<vmem>>
    %dma_wait3A_93 = tpu.memref_squeeze %dma_wait3A_92 : memref<1x8xf32, #tpu.memory_space<vmem>> -> memref<8xf32, #tpu.memory_space<vmem>>
    %dma_wait3A_94 = arith.constant 0 : i32
    %dma_wait3A_95 = tpu.memref_slice %arg5[%dma_wait3A_83, %dma_wait3A_94] : memref<4x8xf32, #tpu.memory_space<hbm>> -> memref<1x8xf32, #tpu.memory_space<hbm>>
    %dma_wait3A_96 = tpu.memref_squeeze %dma_wait3A_95 : memref<1x8xf32, #tpu.memory_space<hbm>> -> memref<8xf32, #tpu.memory_space<hbm>>
    tpu.wait_dma2 semaphore(%arg15 : memref<!tpu.dma_semaphore, #tpu.memory_space<semaphore_mem>>) src(%dma_wait3A_96 : memref<8xf32, #tpu.memory_space<hbm>>) dst(%dma_wait3A_93 : memref<8xf32, #tpu.memory_space<vmem>>)
    %dma_wait3A_97 = arith.constant 2 : i32
    %dma_wait3A_98 = arith.constant 1 : i32
    %dma_wait3A_99 = arith.constant 0 : i32
    %dma_wait3A_100 = tpu.memref_slice %arg10[%dma_wait3A_98, %dma_wait3A_99] : memref<2x16xf32, #tpu.memory_space<vmem>> -> memref<1x8xf32, #tpu.memory_space<vmem>>
    %dma_wait3A_101 = tpu.memref_squeeze %dma_wait3A_100 : memref<1x8xf32, #tpu.memory_space<vmem>> -> memref<8xf32, #tpu.memory_space<vmem>>
    %dma_wait3A_102 = arith.constant 0 : i32
    %dma_wait3A_103 = tpu.memref_slice %arg5[%dma_wait3A_97, %dma_wait3A_102] : memref<4x8xf32, #tpu.memory_space<hbm>> -> memref<1x8xf32, #tpu.memory_space<hbm>>
    %dma_wait3A_104 = tpu.memref_squeeze %dma_wait3A_103 : memref<1x8xf32, #tpu.memory_space<hbm>> -> memref<8xf32, #tpu.memory_space<hbm>>
    %dma_wait3A_105 = arith.constant 0 : i32
    %dma_wait3A_106 = tpu.memref_slice %arg10[%dma_wait3A_98, %dma_wait3A_105] : memref<2x16xf32, #tpu.memory_space<vmem>> -> memref<1x8xf32, #tpu.memory_space<vmem>>
    %dma_wait3A_107 = tpu.memref_squeeze %dma_wait3A_106 : memref<1x8xf32, #tpu.memory_space<vmem>> -> memref<8xf32, #tpu.memory_space<vmem>>
    %dma_wait3A_108 = arith.constant 0 : i32
    %dma_wait3A_109 = tpu.memref_slice %arg5[%dma_wait3A_97, %dma_wait3A_108] : memref<4x8xf32, #tpu.memory_space<hbm>> -> memref<1x8xf32, #tpu.memory_space<hbm>>
    %dma_wait3A_110 = tpu.memref_squeeze %dma_wait3A_109 : memref<1x8xf32, #tpu.memory_space<hbm>> -> memref<8xf32, #tpu.memory_space<hbm>>
    tpu.wait_dma2 semaphore(%arg15 : memref<!tpu.dma_semaphore, #tpu.memory_space<semaphore_mem>>) src(%dma_wait3A_110 : memref<8xf32, #tpu.memory_space<hbm>>) dst(%dma_wait3A_107 : memref<8xf32, #tpu.memory_space<vmem>>)
    %dma_wait3A_111 = arith.constant 3 : i32
    %dma_wait3A_112 = arith.constant 1 : i32
    %dma_wait3A_113 = arith.constant 8 : i32
    %dma_wait3A_114 = tpu.memref_slice %arg10[%dma_wait3A_112, %dma_wait3A_113] : memref<2x16xf32, #tpu.memory_space<vmem>> -> memref<1x8xf32, #tpu.memory_space<vmem>>
    %dma_wait3A_115 = tpu.memref_squeeze %dma_wait3A_114 : memref<1x8xf32, #tpu.memory_space<vmem>> -> memref<8xf32, #tpu.memory_space<vmem>>
    %dma_wait3A_116 = arith.constant 0 : i32
    %dma_wait3A_117 = tpu.memref_slice %arg5[%dma_wait3A_111, %dma_wait3A_116] : memref<4x8xf32, #tpu.memory_space<hbm>> -> memref<1x8xf32, #tpu.memory_space<hbm>>
    %dma_wait3A_118 = tpu.memref_squeeze %dma_wait3A_117 : memref<1x8xf32, #tpu.memory_space<hbm>> -> memref<8xf32, #tpu.memory_space<hbm>>
    %dma_wait3A_119 = arith.constant 8 : i32
    %dma_wait3A_120 = tpu.memref_slice %arg10[%dma_wait3A_112, %dma_wait3A_119] : memref<2x16xf32, #tpu.memory_space<vmem>> -> memref<1x8xf32, #tpu.memory_space<vmem>>
    %dma_wait3A_121 = tpu.memref_squeeze %dma_wait3A_120 : memref<1x8xf32, #tpu.memory_space<vmem>> -> memref<8xf32, #tpu.memory_space<vmem>>
    %dma_wait3A_122 = arith.constant 0 : i32
    %dma_wait3A_123 = tpu.memref_slice %arg5[%dma_wait3A_111, %dma_wait3A_122] : memref<4x8xf32, #tpu.memory_space<hbm>> -> memref<1x8xf32, #tpu.memory_space<hbm>>
    %dma_wait3A_124 = tpu.memref_squeeze %dma_wait3A_123 : memref<1x8xf32, #tpu.memory_space<hbm>> -> memref<8xf32, #tpu.memory_space<hbm>>
    tpu.wait_dma2 semaphore(%arg15 : memref<!tpu.dma_semaphore, #tpu.memory_space<semaphore_mem>>) src(%dma_wait3A_124 : memref<8xf32, #tpu.memory_space<hbm>>) dst(%dma_wait3A_121 : memref<8xf32, #tpu.memory_space<vmem>>)
    %get3A = arith.constant 0 : i32
    %get3A_125 = arith.index_cast %get3A : i32 to index
    %get3A_126 = arith.constant 0 : index
    %get3A_127 = tpu.vector_load %arg10[%get3A_125, %get3A_126] {strides = array<i32>} : memref<2x16xf32, #tpu.memory_space<vmem>>, vector<16xf32>,
    %get3A_128 = arith.constant 1 : i32
    %get3A_129 = arith.index_cast %get3A_128 : i32 to index
    %get3A_130 = arith.constant 0 : index
    %get3A_131 = tpu.vector_load %arg10[%get3A_129, %get3A_130] {strides = array<i32>} : memref<2x16xf32, #tpu.memory_space<vmem>>, vector<16xf32>,
    %broadcast_in_dim3A = arith.constant 0.000000e+00 : f32
    %broadcast_in_dim3A_132 = vector.broadcast %broadcast_in_dim3A : f32 to vector<16xf32>
    %slice3A = vector.extract_strided_slice %get3A_127 {offsets = [0], sizes = [1], strides = [1]} : vector<16xf32> to vector<1xf32>
    %squeeze3A = vector.extract %slice3A[0] : f32 from vector<1xf32>
    %add3A_133 = vector.broadcast %squeeze3A : f32 to vector<16xf32>
    %add3A_134 = arith.addf %broadcast_in_dim3A_132, %add3A_133 : vector<16xf32>
    %broadcast_in_dim3A_135 = arith.constant 0.000000e+00 : f32
    %broadcast_in_dim3A_136 = vector.broadcast %broadcast_in_dim3A_135 : f32 to vector<16xf32>
    %slice3A_137 = vector.extract_strided_slice %get3A_127 {offsets = [1], sizes = [1], strides = [1]} : vector<16xf32> to vector<1xf32>
    %squeeze3A_138 = vector.extract %slice3A_137[0] : f32 from vector<1xf32>
    %add3A_139 = vector.broadcast %squeeze3A_138 : f32 to vector<16xf32>
    %add3A_140 = arith.addf %broadcast_in_dim3A_136, %add3A_139 : vector<16xf32>
    %broadcast_in_dim3A_141 = arith.constant 0.000000e+00 : f32
    %broadcast_in_dim3A_142 = vector.broadcast %broadcast_in_dim3A_141 : f32 to vector<16xf32>
    %slice3A_143 = vector.extract_strided_slice %get3A_127 {offsets = [2], sizes = [1], strides = [1]} : vector<16xf32> to vector<1xf32>
    %squeeze3A_144 = vector.extract %slice3A_143[0] : f32 from vector<1xf32>
    %add3A_145 = vector.broadcast %squeeze3A_144 : f32 to vector<16xf32>
    %add3A_146 = arith.addf %broadcast_in_dim3A_142, %add3A_145 : vector<16xf32>
    %broadcast_in_dim3A_147 = arith.constant 0.000000e+00 : f32
    %broadcast_in_dim3A_148 = vector.broadcast %broadcast_in_dim3A_147 : f32 to vector<16xf32>
    %slice3A_149 = vector.extract_strided_slice %get3A_127 {offsets = [3], sizes = [1], strides = [1]} : vector<16xf32> to vector<1xf32>
    %squeeze3A_150 = vector.extract %slice3A_149[0] : f32 from vector<1xf32>
    %add3A_151 = vector.broadcast %squeeze3A_150 : f32 to vector<16xf32>
    %add3A_152 = arith.addf %broadcast_in_dim3A_148, %add3A_151 : vector<16xf32>
    %broadcast_in_dim3A_153 = arith.constant 0.000000e+00 : f32
    %broadcast_in_dim3A_154 = vector.broadcast %broadcast_in_dim3A_153 : f32 to vector<16xf32>
    %slice3A_155 = vector.extract_strided_slice %get3A_127 {offsets = [4], sizes = [1], strides = [1]} : vector<16xf32> to vector<1xf32>
    %squeeze3A_156 = vector.extract %slice3A_155[0] : f32 from vector<1xf32>
    %add3A_157 = vector.broadcast %squeeze3A_156 : f32 to vector<16xf32>
    %add3A_158 = arith.addf %broadcast_in_dim3A_154, %add3A_157 : vector<16xf32>
    %broadcast_in_dim3A_159 = arith.constant 0.000000e+00 : f32
    %broadcast_in_dim3A_160 = vector.broadcast %broadcast_in_dim3A_159 : f32 to vector<16xf32>
    %slice3A_161 = vector.extract_strided_slice %get3A_127 {offsets = [5], sizes = [1], strides = [1]} : vector<16xf32> to vector<1xf32>
    %squeeze3A_162 = vector.extract %slice3A_161[0] : f32 from vector<1xf32>
    %add3A_163 = vector.broadcast %squeeze3A_162 : f32 to vector<16xf32>
    %add3A_164 = arith.addf %broadcast_in_dim3A_160, %add3A_163 : vector<16xf32>
    %broadcast_in_dim3A_165 = arith.constant 0.000000e+00 : f32
    %broadcast_in_dim3A_166 = vector.broadcast %broadcast_in_dim3A_165 : f32 to vector<16xf32>
    %slice3A_167 = vector.extract_strided_slice %get3A_127 {offsets = [6], sizes = [1], strides = [1]} : vector<16xf32> to vector<1xf32>
    %squeeze3A_168 = vector.extract %slice3A_167[0] : f32 from vector<1xf32>
    %add3A_169 = vector.broadcast %squeeze3A_168 : f32 to vector<16xf32>
    %add3A_170 = arith.addf %broadcast_in_dim3A_166, %add3A_169 : vector<16xf32>
    %broadcast_in_dim3A_171 = arith.constant 0.000000e+00 : f32
    %broadcast_in_dim3A_172 = vector.broadcast %broadcast_in_dim3A_171 : f32 to vector<16xf32>
    %slice3A_173 = vector.extract_strided_slice %get3A_127 {offsets = [7], sizes = [1], strides = [1]} : vector<16xf32> to vector<1xf32>
    %squeeze3A_174 = vector.extract %slice3A_173[0] : f32 from vector<1xf32>
    %add3A_175 = vector.broadcast %squeeze3A_174 : f32 to vector<16xf32>
    %add3A_176 = arith.addf %broadcast_in_dim3A_172, %add3A_175 : vector<16xf32>
    %broadcast_in_dim3A_177 = arith.constant 0.000000e+00 : f32
    %broadcast_in_dim3A_178 = vector.broadcast %broadcast_in_dim3A_177 : f32 to vector<16xf32>
    %slice3A_179 = vector.extract_strided_slice %get3A_127 {offsets = [8], sizes = [1], strides = [1]} : vector<16xf32> to vector<1xf32>
    %squeeze3A_180 = vector.extract %slice3A_179[0] : f32 from vector<1xf32>
    %add3A_181 = vector.broadcast %squeeze3A_180 : f32 to vector<16xf32>
    %add3A_182 = arith.addf %broadcast_in_dim3A_178, %add3A_181 : vector<16xf32>
    %broadcast_in_dim3A_183 = arith.constant 0.000000e+00 : f32
    %broadcast_in_dim3A_184 = vector.broadcast %broadcast_in_dim3A_183 : f32 to vector<16xf32>
    %slice3A_185 = vector.extract_strided_slice %get3A_127 {offsets = [9], sizes = [1], strides = [1]} : vector<16xf32> to vector<1xf32>
    %squeeze3A_186 = vector.extract %slice3A_185[0] : f32 from vector<1xf32>
    %add3A_187 = vector.broadcast %squeeze3A_186 : f32 to vector<16xf32>
    %add3A_188 = arith.addf %broadcast_in_dim3A_184, %add3A_187 : vector<16xf32>
    %broadcast_in_dim3A_189 = arith.constant 0.000000e+00 : f32
    %broadcast_in_dim3A_190 = vector.broadcast %broadcast_in_dim3A_189 : f32 to vector<16xf32>
    %slice3A_191 = vector.extract_strided_slice %get3A_127 {offsets = [10], sizes = [1], strides = [1]} : vector<16xf32> to vector<1xf32>
    %squeeze3A_192 = vector.extract %slice3A_191[0] : f32 from vector<1xf32>
    %add3A_193 = vector.broadcast %squeeze3A_192 : f32 to vector<16xf32>
    %add3A_194 = arith.addf %broadcast_in_dim3A_190, %add3A_193 : vector<16xf32>
    %broadcast_in_dim3A_195 = arith.constant 0.000000e+00 : f32
    %broadcast_in_dim3A_196 = vector.broadcast %broadcast_in_dim3A_195 : f32 to vector<16xf32>
    %slice3A_197 = vector.extract_strided_slice %get3A_127 {offsets = [11], sizes = [1], strides = [1]} : vector<16xf32> to vector<1xf32>
    %squeeze3A_198 = vector.extract %slice3A_197[0] : f32 from vector<1xf32>
    %add3A_199 = vector.broadcast %squeeze3A_198 : f32 to vector<16xf32>
    %add3A_200 = arith.addf %broadcast_in_dim3A_196, %add3A_199 : vector<16xf32>
    %broadcast_in_dim3A_201 = arith.constant 0.000000e+00 : f32
    %broadcast_in_dim3A_202 = vector.broadcast %broadcast_in_dim3A_201 : f32 to vector<16xf32>
    %slice3A_203 = vector.extract_strided_slice %get3A_127 {offsets = [12], sizes = [1], strides = [1]} : vector<16xf32> to vector<1xf32>
    %squeeze3A_204 = vector.extract %slice3A_203[0] : f32 from vector<1xf32>
    %add3A_205 = vector.broadcast %squeeze3A_204 : f32 to vector<16xf32>
    %add3A_206 = arith.addf %broadcast_in_dim3A_202, %add3A_205 : vector<16xf32>
    %broadcast_in_dim3A_207 = arith.constant 0.000000e+00 : f32
    %broadcast_in_dim3A_208 = vector.broadcast %broadcast_in_dim3A_207 : f32 to vector<16xf32>
    %slice3A_209 = vector.extract_strided_slice %get3A_127 {offsets = [13], sizes = [1], strides = [1]} : vector<16xf32> to vector<1xf32>
    %squeeze3A_210 = vector.extract %slice3A_209[0] : f32 from vector<1xf32>
    %add3A_211 = vector.broadcast %squeeze3A_210 : f32 to vector<16xf32>
    %add3A_212 = arith.addf %broadcast_in_dim3A_208, %add3A_211 : vector<16xf32>
    %broadcast_in_dim3A_213 = arith.constant 0.000000e+00 : f32
    %broadcast_in_dim3A_214 = vector.broadcast %broadcast_in_dim3A_213 : f32 to vector<16xf32>
    %slice3A_215 = vector.extract_strided_slice %get3A_127 {offsets = [14], sizes = [1], strides = [1]} : vector<16xf32> to vector<1xf32>
    %squeeze3A_216 = vector.extract %slice3A_215[0] : f32 from vector<1xf32>
    %add3A_217 = vector.broadcast %squeeze3A_216 : f32 to vector<16xf32>
    %add3A_218 = arith.addf %broadcast_in_dim3A_214, %add3A_217 : vector<16xf32>
    %broadcast_in_dim3A_219 = arith.constant 0.000000e+00 : f32
    %broadcast_in_dim3A_220 = vector.broadcast %broadcast_in_dim3A_219 : f32 to vector<16xf32>
    %slice3A_221 = vector.extract_strided_slice %get3A_127 {offsets = [15], sizes = [1], strides = [1]} : vector<16xf32> to vector<1xf32>
    %squeeze3A_222 = vector.extract %slice3A_221[0] : f32 from vector<1xf32>
    %add3A_223 = vector.broadcast %squeeze3A_222 : f32 to vector<16xf32>
    %add3A_224 = arith.addf %broadcast_in_dim3A_220, %add3A_223 : vector<16xf32>
    %broadcast_in_dim3A_225 = arith.constant 0.000000e+00 : f32
    %broadcast_in_dim3A_226 = vector.broadcast %broadcast_in_dim3A_225 : f32 to vector<16xf32>
    %slice3A_227 = vector.extract_strided_slice %get3A_131 {offsets = [0], sizes = [1], strides = [1]} : vector<16xf32> to vector<1xf32>
    %squeeze3A_228 = vector.extract %slice3A_227[0] : f32 from vector<1xf32>
    %add3A_229 = vector.broadcast %squeeze3A_228 : f32 to vector<16xf32>
    %add3A_230 = arith.addf %broadcast_in_dim3A_226, %add3A_229 : vector<16xf32>
    %broadcast_in_dim3A_231 = arith.constant 0.000000e+00 : f32
    %broadcast_in_dim3A_232 = vector.broadcast %broadcast_in_dim3A_231 : f32 to vector<16xf32>
    %slice3A_233 = vector.extract_strided_slice %get3A_131 {offsets = [1], sizes = [1], strides = [1]} : vector<16xf32> to vector<1xf32>
    %squeeze3A_234 = vector.extract %slice3A_233[0] : f32 from vector<1xf32>
    %add3A_235 = vector.broadcast %squeeze3A_234 : f32 to vector<16xf32>
    %add3A_236 = arith.addf %broadcast_in_dim3A_232, %add3A_235 : vector<16xf32>
    %broadcast_in_dim3A_237 = arith.constant 0.000000e+00 : f32
    %broadcast_in_dim3A_238 = vector.broadcast %broadcast_in_dim3A_237 : f32 to vector<16xf32>
    %slice3A_239 = vector.extract_strided_slice %get3A_131 {offsets = [2], sizes = [1], strides = [1]} : vector<16xf32> to vector<1xf32>
    %squeeze3A_240 = vector.extract %slice3A_239[0] : f32 from vector<1xf32>
    %add3A_241 = vector.broadcast %squeeze3A_240 : f32 to vector<16xf32>
    %add3A_242 = arith.addf %broadcast_in_dim3A_238, %add3A_241 : vector<16xf32>
    %broadcast_in_dim3A_243 = arith.constant 0.000000e+00 : f32
    %broadcast_in_dim3A_244 = vector.broadcast %broadcast_in_dim3A_243 : f32 to vector<16xf32>
    %slice3A_245 = vector.extract_strided_slice %get3A_131 {offsets = [3], sizes = [1], strides = [1]} : vector<16xf32> to vector<1xf32>
    %squeeze3A_246 = vector.extract %slice3A_245[0] : f32 from vector<1xf32>
    %add3A_247 = vector.broadcast %squeeze3A_246 : f32 to vector<16xf32>
    %add3A_248 = arith.addf %broadcast_in_dim3A_244, %add3A_247 : vector<16xf32>
    %broadcast_in_dim3A_249 = arith.constant 0.000000e+00 : f32
    %broadcast_in_dim3A_250 = vector.broadcast %broadcast_in_dim3A_249 : f32 to vector<16xf32>
    %slice3A_251 = vector.extract_strided_slice %get3A_131 {offsets = [4], sizes = [1], strides = [1]} : vector<16xf32> to vector<1xf32>
    %squeeze3A_252 = vector.extract %slice3A_251[0] : f32 from vector<1xf32>
    %add3A_253 = vector.broadcast %squeeze3A_252 : f32 to vector<16xf32>
    %add3A_254 = arith.addf %broadcast_in_dim3A_250, %add3A_253 : vector<16xf32>
    %broadcast_in_dim3A_255 = arith.constant 0.000000e+00 : f32
    %broadcast_in_dim3A_256 = vector.broadcast %broadcast_in_dim3A_255 : f32 to vector<16xf32>
    %slice3A_257 = vector.extract_strided_slice %get3A_131 {offsets = [5], sizes = [1], strides = [1]} : vector<16xf32> to vector<1xf32>
    %squeeze3A_258 = vector.extract %slice3A_257[0] : f32 from vector<1xf32>
    %add3A_259 = vector.broadcast %squeeze3A_258 : f32 to vector<16xf32>
    %add3A_260 = arith.addf %broadcast_in_dim3A_256, %add3A_259 : vector<16xf32>
    %broadcast_in_dim3A_261 = arith.constant 0.000000e+00 : f32
    %broadcast_in_dim3A_262 = vector.broadcast %broadcast_in_dim3A_261 : f32 to vector<16xf32>
    %slice3A_263 = vector.extract_strided_slice %get3A_131 {offsets = [6], sizes = [1], strides = [1]} : vector<16xf32> to vector<1xf32>
    %squeeze3A_264 = vector.extract %slice3A_263[0] : f32 from vector<1xf32>
    %add3A_265 = vector.broadcast %squeeze3A_264 : f32 to vector<16xf32>
    %add3A_266 = arith.addf %broadcast_in_dim3A_262, %add3A_265 : vector<16xf32>
    %broadcast_in_dim3A_267 = arith.constant 0.000000e+00 : f32
    %broadcast_in_dim3A_268 = vector.broadcast %broadcast_in_dim3A_267 : f32 to vector<16xf32>
    %slice3A_269 = vector.extract_strided_slice %get3A_131 {offsets = [7], sizes = [1], strides = [1]} : vector<16xf32> to vector<1xf32>
    %squeeze3A_270 = vector.extract %slice3A_269[0] : f32 from vector<1xf32>
    %add3A_271 = vector.broadcast %squeeze3A_270 : f32 to vector<16xf32>
    %add3A_272 = arith.addf %broadcast_in_dim3A_268, %add3A_271 : vector<16xf32>
    %broadcast_in_dim3A_273 = arith.constant 0.000000e+00 : f32
    %broadcast_in_dim3A_274 = vector.broadcast %broadcast_in_dim3A_273 : f32 to vector<16xf32>
    %slice3A_275 = vector.extract_strided_slice %get3A_131 {offsets = [8], sizes = [1], strides = [1]} : vector<16xf32> to vector<1xf32>
    %squeeze3A_276 = vector.extract %slice3A_275[0] : f32 from vector<1xf32>
    %add3A_277 = vector.broadcast %squeeze3A_276 : f32 to vector<16xf32>
    %add3A_278 = arith.addf %broadcast_in_dim3A_274, %add3A_277 : vector<16xf32>
    %broadcast_in_dim3A_279 = arith.constant 0.000000e+00 : f32
    %broadcast_in_dim3A_280 = vector.broadcast %broadcast_in_dim3A_279 : f32 to vector<16xf32>
    %slice3A_281 = vector.extract_strided_slice %get3A_131 {offsets = [9], sizes = [1], strides = [1]} : vector<16xf32> to vector<1xf32>
    %squeeze3A_282 = vector.extract %slice3A_281[0] : f32 from vector<1xf32>
    %add3A_283 = vector.broadcast %squeeze3A_282 : f32 to vector<16xf32>
    %add3A_284 = arith.addf %broadcast_in_dim3A_280, %add3A_283 : vector<16xf32>
    %broadcast_in_dim3A_285 = arith.constant 0.000000e+00 : f32
    %broadcast_in_dim3A_286 = vector.broadcast %broadcast_in_dim3A_285 : f32 to vector<16xf32>
    %slice3A_287 = vector.extract_strided_slice %get3A_131 {offsets = [10], sizes = [1], strides = [1]} : vector<16xf32> to vector<1xf32>
    %squeeze3A_288 = vector.extract %slice3A_287[0] : f32 from vector<1xf32>
    %add3A_289 = vector.broadcast %squeeze3A_288 : f32 to vector<16xf32>
    %add3A_290 = arith.addf %broadcast_in_dim3A_286, %add3A_289 : vector<16xf32>
    %broadcast_in_dim3A_291 = arith.constant 0.000000e+00 : f32
    %broadcast_in_dim3A_292 = vector.broadcast %broadcast_in_dim3A_291 : f32 to vector<16xf32>
    %slice3A_293 = vector.extract_strided_slice %get3A_131 {offsets = [11], sizes = [1], strides = [1]} : vector<16xf32> to vector<1xf32>
    %squeeze3A_294 = vector.extract %slice3A_293[0] : f32 from vector<1xf32>
    %add3A_295 = vector.broadcast %squeeze3A_294 : f32 to vector<16xf32>
    %add3A_296 = arith.addf %broadcast_in_dim3A_292, %add3A_295 : vector<16xf32>
    %broadcast_in_dim3A_297 = arith.constant 0.000000e+00 : f32
    %broadcast_in_dim3A_298 = vector.broadcast %broadcast_in_dim3A_297 : f32 to vector<16xf32>
    %slice3A_299 = vector.extract_strided_slice %get3A_131 {offsets = [12], sizes = [1], strides = [1]} : vector<16xf32> to vector<1xf32>
    %squeeze3A_300 = vector.extract %slice3A_299[0] : f32 from vector<1xf32>
    %add3A_301 = vector.broadcast %squeeze3A_300 : f32 to vector<16xf32>
    %add3A_302 = arith.addf %broadcast_in_dim3A_298, %add3A_301 : vector<16xf32>
    %broadcast_in_dim3A_303 = arith.constant 0.000000e+00 : f32
    %broadcast_in_dim3A_304 = vector.broadcast %broadcast_in_dim3A_303 : f32 to vector<16xf32>
    %slice3A_305 = vector.extract_strided_slice %get3A_131 {offsets = [13], sizes = [1], strides = [1]} : vector<16xf32> to vector<1xf32>
    %squeeze3A_306 = vector.extract %slice3A_305[0] : f32 from vector<1xf32>
    %add3A_307 = vector.broadcast %squeeze3A_306 : f32 to vector<16xf32>
    %add3A_308 = arith.addf %broadcast_in_dim3A_304, %add3A_307 : vector<16xf32>
    %broadcast_in_dim3A_309 = arith.constant 0.000000e+00 : f32
    %broadcast_in_dim3A_310 = vector.broadcast %broadcast_in_dim3A_309 : f32 to vector<16xf32>
    %slice3A_311 = vector.extract_strided_slice %get3A_131 {offsets = [14], sizes = [1], strides = [1]} : vector<16xf32> to vector<1xf32>
    %squeeze3A_312 = vector.extract %slice3A_311[0] : f32 from vector<1xf32>
    %add3A_313 = vector.broadcast %squeeze3A_312 : f32 to vector<16xf32>
    %add3A_314 = arith.addf %broadcast_in_dim3A_310, %add3A_313 : vector<16xf32>
    %broadcast_in_dim3A_315 = arith.constant 0.000000e+00 : f32
    %broadcast_in_dim3A_316 = vector.broadcast %broadcast_in_dim3A_315 : f32 to vector<16xf32>
    %slice3A_317 = vector.extract_strided_slice %get3A_131 {offsets = [15], sizes = [1], strides = [1]} : vector<16xf32> to vector<1xf32>
    %squeeze3A_318 = vector.extract %slice3A_317[0] : f32 from vector<1xf32>
    %add3A_319 = vector.broadcast %squeeze3A_318 : f32 to vector<16xf32>
    %add3A_320 = arith.addf %broadcast_in_dim3A_316, %add3A_319 : vector<16xf32>
    %scan3A = arith.constant 0 : i32
    %scan3A_321 = arith.constant 32 : i32
    %scan3A_322 = arith.addi %scan3A, %scan3A_321 : i32
    %scan3A_323 = arith.constant 1 : i32
    scf.for %scan3A_347 = %scan3A to %scan3A_322 step %scan3A_323  : i32 {
      %mul3A_348 = arith.constant 1 : i32
      %mul3A_349 = arith.muli %scan3A_347, %mul3A_348 : i32
      %add3A_350 = arith.constant 0 : i32
      %add3A_351 = arith.addi %add3A_350, %mul3A_349 : i32
      %add3A_352 = arith.constant 0 : i32
      %add3A_353 = arith.addi %add3A_352, %add3A_351 : i32
      %mul3A_354 = arith.constant 16 : i32
      %mul3A_355 = arith.muli %add3A_353, %mul3A_354 : i32
      %get3A_356 = arith.index_cast %mul3A_355 : i32 to index
      %get3A_357 = tpu.vector_load %arg7[%get3A_356] {strides = array<i32>} : memref<512xi32, #tpu.memory_space<vmem>>, vector<16xi32>,
      %and3A = arith.constant 1 : i32
      %and3A_358 = vector.broadcast %and3A : i32 to vector<16xi32>
      %and3A_359 = arith.andi %get3A_357, %and3A_358 : vector<16xi32>
      %eq3A = arith.constant 1 : i32
      %eq3A_360 = vector.broadcast %eq3A : i32 to vector<16xi32>
      %eq3A_361 = arith.cmpi eq, %and3A_359, %eq3A_360 : vector<16xi32>
      %ge3A = arith.constant 2 : i32
      %ge3A_362 = vector.broadcast %ge3A : i32 to vector<16xi32>
      %ge3A_363 = arith.cmpi sge, %get3A_357, %ge3A_362 : vector<16xi32>
      %select_n3A = arith.select %eq3A_361, %add3A_182, %add3A_134 : vector<16xi1>, vector<16xf32>
      %select_n3A_364 = arith.select %eq3A_361, %add3A_278, %add3A_230 : vector<16xi1>, vector<16xf32>
      %select_n3A_365 = arith.select %ge3A_363, %select_n3A_364, %select_n3A : vector<16xi1>, vector<16xf32>
      %swap3A = arith.constant 0 : i32
      %swap3A_366 = arith.index_cast %swap3A : i32 to index
      %swap3A_367 = arith.index_cast %mul3A_355 : i32 to index
      %swap3A_368 = tpu.vector_load %arg11[%swap3A_366, %swap3A_367] {strides = array<i32>} : memref<14x512xf32, #tpu.memory_space<vmem>>, vector<16xf32>,
      tpu.vector_store %arg11[%swap3A_366, %swap3A_367], %select_n3A_365 {strides = array<i32>} : memref<14x512xf32, #tpu.memory_space<vmem>>, vector<16xf32>,
      %select_n3A_369 = arith.select %eq3A_361, %add3A_188, %add3A_140 : vector<16xi1>, vector<16xf32>
      %select_n3A_370 = arith.select %eq3A_361, %add3A_284, %add3A_236 : vector<16xi1>, vector<16xf32>
      %select_n3A_371 = arith.select %ge3A_363, %select_n3A_370, %select_n3A_369 : vector<16xi1>, vector<16xf32>
      %swap3A_372 = arith.constant 1 : i32
      %swap3A_373 = arith.index_cast %swap3A_372 : i32 to index
      %swap3A_374 = arith.index_cast %mul3A_355 : i32 to index
      %swap3A_375 = tpu.vector_load %arg11[%swap3A_373, %swap3A_374] {strides = array<i32>} : memref<14x512xf32, #tpu.memory_space<vmem>>, vector<16xf32>,
      tpu.vector_store %arg11[%swap3A_373, %swap3A_374], %select_n3A_371 {strides = array<i32>} : memref<14x512xf32, #tpu.memory_space<vmem>>, vector<16xf32>,
      %select_n3A_376 = arith.select %eq3A_361, %add3A_194, %add3A_146 : vector<16xi1>, vector<16xf32>
      %select_n3A_377 = arith.select %eq3A_361, %add3A_290, %add3A_242 : vector<16xi1>, vector<16xf32>
      %select_n3A_378 = arith.select %ge3A_363, %select_n3A_377, %select_n3A_376 : vector<16xi1>, vector<16xf32>
      %swap3A_379 = arith.constant 2 : i32
      %swap3A_380 = arith.index_cast %swap3A_379 : i32 to index
      %swap3A_381 = arith.index_cast %mul3A_355 : i32 to index
      %swap3A_382 = tpu.vector_load %arg11[%swap3A_380, %swap3A_381] {strides = array<i32>} : memref<14x512xf32, #tpu.memory_space<vmem>>, vector<16xf32>,
      tpu.vector_store %arg11[%swap3A_380, %swap3A_381], %select_n3A_378 {strides = array<i32>} : memref<14x512xf32, #tpu.memory_space<vmem>>, vector<16xf32>,
      %select_n3A_383 = arith.select %eq3A_361, %add3A_200, %add3A_152 : vector<16xi1>, vector<16xf32>
      %select_n3A_384 = arith.select %eq3A_361, %add3A_296, %add3A_248 : vector<16xi1>, vector<16xf32>
      %select_n3A_385 = arith.select %ge3A_363, %select_n3A_384, %select_n3A_383 : vector<16xi1>, vector<16xf32>
      %swap3A_386 = arith.constant 3 : i32
      %swap3A_387 = arith.index_cast %swap3A_386 : i32 to index
      %swap3A_388 = arith.index_cast %mul3A_355 : i32 to index
      %swap3A_389 = tpu.vector_load %arg11[%swap3A_387, %swap3A_388] {strides = array<i32>} : memref<14x512xf32, #tpu.memory_space<vmem>>, vector<16xf32>,
      tpu.vector_store %arg11[%swap3A_387, %swap3A_388], %select_n3A_385 {strides = array<i32>} : memref<14x512xf32, #tpu.memory_space<vmem>>, vector<16xf32>,
      %select_n3A_390 = arith.select %eq3A_361, %add3A_206, %add3A_158 : vector<16xi1>, vector<16xf32>
      %select_n3A_391 = arith.select %eq3A_361, %add3A_302, %add3A_254 : vector<16xi1>, vector<16xf32>
      %select_n3A_392 = arith.select %ge3A_363, %select_n3A_391, %select_n3A_390 : vector<16xi1>, vector<16xf32>
      %swap3A_393 = arith.constant 4 : i32
      %swap3A_394 = arith.index_cast %swap3A_393 : i32 to index
      %swap3A_395 = arith.index_cast %mul3A_355 : i32 to index
      %swap3A_396 = tpu.vector_load %arg11[%swap3A_394, %swap3A_395] {strides = array<i32>} : memref<14x512xf32, #tpu.memory_space<vmem>>, vector<16xf32>,
      tpu.vector_store %arg11[%swap3A_394, %swap3A_395], %select_n3A_392 {strides = array<i32>} : memref<14x512xf32, #tpu.memory_space<vmem>>, vector<16xf32>,
      %select_n3A_397 = arith.select %eq3A_361, %add3A_212, %add3A_164 : vector<16xi1>, vector<16xf32>
      %select_n3A_398 = arith.select %eq3A_361, %add3A_308, %add3A_260 : vector<16xi1>, vector<16xf32>
      %select_n3A_399 = arith.select %ge3A_363, %select_n3A_398, %select_n3A_397 : vector<16xi1>, vector<16xf32>
      %swap3A_400 = arith.constant 5 : i32
      %swap3A_401 = arith.index_cast %swap3A_400 : i32 to index
      %swap3A_402 = arith.index_cast %mul3A_355 : i32 to index
      %swap3A_403 = tpu.vector_load %arg11[%swap3A_401, %swap3A_402] {strides = array<i32>} : memref<14x512xf32, #tpu.memory_space<vmem>>, vector<16xf32>,
      tpu.vector_store %arg11[%swap3A_401, %swap3A_402], %select_n3A_399 {strides = array<i32>} : memref<14x512xf32, #tpu.memory_space<vmem>>, vector<16xf32>,
      %select_n3A_404 = arith.select %eq3A_361, %add3A_218, %add3A_170 : vector<16xi1>, vector<16xf32>
      %select_n3A_405 = arith.select %eq3A_361, %add3A_314, %add3A_266 : vector<16xi1>, vector<16xf32>
      %select_n3A_406 = arith.select %ge3A_363, %select_n3A_405, %select_n3A_404 : vector<16xi1>, vector<16xf32>
      %swap3A_407 = arith.constant 6 : i32
      %swap3A_408 = arith.index_cast %swap3A_407 : i32 to index
      %swap3A_409 = arith.index_cast %mul3A_355 : i32 to index
      %swap3A_410 = tpu.vector_load %arg11[%swap3A_408, %swap3A_409] {strides = array<i32>} : memref<14x512xf32, #tpu.memory_space<vmem>>, vector<16xf32>,
      tpu.vector_store %arg11[%swap3A_408, %swap3A_409], %select_n3A_406 {strides = array<i32>} : memref<14x512xf32, #tpu.memory_space<vmem>>, vector<16xf32>,
      %select_n3A_411 = arith.select %eq3A_361, %add3A_224, %add3A_176 : vector<16xi1>, vector<16xf32>
      %select_n3A_412 = arith.select %eq3A_361, %add3A_320, %add3A_272 : vector<16xi1>, vector<16xf32>
      %select_n3A_413 = arith.select %ge3A_363, %select_n3A_412, %select_n3A_411 : vector<16xi1>, vector<16xf32>
      %swap3A_414 = arith.constant 7 : i32
      %swap3A_415 = arith.index_cast %swap3A_414 : i32 to index
      %swap3A_416 = arith.index_cast %mul3A_355 : i32 to index
      %swap3A_417 = tpu.vector_load %arg11[%swap3A_415, %swap3A_416] {strides = array<i32>} : memref<14x512xf32, #tpu.memory_space<vmem>>, vector<16xf32>,
      tpu.vector_store %arg11[%swap3A_415, %swap3A_416], %select_n3A_413 {strides = array<i32>} : memref<14x512xf32, #tpu.memory_space<vmem>>, vector<16xf32>,
      %get3A_418 = arith.index_cast %mul3A_355 : i32 to index
      %get3A_419 = tpu.vector_load %arg8[%get3A_418] {strides = array<i32>} : memref<512xi32, #tpu.memory_space<vmem>>, vector<16xi32>,
      %mul3A_420 = arith.constant 241 : i32
      %mul3A_421 = vector.broadcast %mul3A_420 : i32 to vector<16xi32>
      %mul3A_422 = arith.muli %get3A_419, %mul3A_421 : vector<16xi32>
      %shift_right_arithmetic3A = arith.constant 12 : i32
      %shift_right_arithmetic3A_423 = vector.broadcast %shift_right_arithmetic3A : i32 to vector<16xi32>
      %shift_right_arithmetic3A_424 = arith.shrsi %mul3A_422, %shift_right_arithmetic3A_423 : vector<16xi32>
      %mul3A_425 = arith.constant 17 : i32
      %mul3A_426 = vector.broadcast %mul3A_425 : i32 to vector<16xi32>
      %mul3A_427 = arith.muli %shift_right_arithmetic3A_424, %mul3A_426 : vector<16xi32>
      %sub3A = arith.subi %get3A_419, %mul3A_427 : vector<16xi32>
      %min3A = arith.constant 14 : i32
      %min3A_428 = vector.broadcast %min3A : i32 to vector<16xi32>
      %min3A_429 = arith.minsi %sub3A, %min3A_428 : vector<16xi32>
      %min3A_430 = arith.constant 10 : i32
      %min3A_431 = vector.broadcast %min3A_430 : i32 to vector<16xi32>
      %min3A_432 = arith.minsi %shift_right_arithmetic3A_424, %min3A_431 : vector<16xi32>
      %ge3A_433 = arith.constant 0 : i32
      %ge3A_434 = vector.broadcast %ge3A_433 : i32 to vector<16xi32>
      %ge3A_435 = arith.cmpi sge, %get3A_419, %ge3A_434 : vector<16xi32>
      %jit3A = arith.constant 1.000000e+00 : f32
      %jit3A_436 = arith.constant 0.000000e+00 : f32
      %broadcast_in_dim3A_437 = vector.broadcast %jit3A : f32 to vector<16xf32>
      %broadcast_in_dim3A_438 = vector.broadcast %jit3A_436 : f32 to vector<16xf32>
      %select_n3A_439 = arith.select %ge3A_435, %broadcast_in_dim3A_437, %broadcast_in_dim3A_438 : vector<16xi1>, vector<16xf32>
      %convert_element_type3A = arith.sitofp %min3A_429 : vector<16xi32> to vector<16xf32>
      %mul3A_440 = arith.constant 0.0714285746 : f32
      %mul3A_441 = vector.broadcast %mul3A_440 : f32 to vector<16xf32>
      %mul3A_442 = arith.mulf %convert_element_type3A, %mul3A_441 : vector<16xf32>
      %convert_element_type3A_443 = arith.sitofp %min3A_432 : vector<16xi32> to vector<16xf32>
      %mul3A_444 = arith.constant 1.000000e-01 : f32
      %mul3A_445 = vector.broadcast %mul3A_444 : f32 to vector<16xf32>
      %mul3A_446 = arith.mulf %convert_element_type3A_443, %mul3A_445 : vector<16xf32>
      %mul3A_447 = arith.mulf %mul3A_442, %select_n3A_439 : vector<16xf32>
      %mul3A_448 = arith.mulf %mul3A_446, %select_n3A_439 : vector<16xf32>
      %get3A_449 = arith.index_cast %mul3A_355 : i32 to index
      %get3A_450 = tpu.vector_load %arg9[%get3A_449] {strides = array<i32>} : memref<512xi32, #tpu.memory_space<vmem>>, vector<16xi32>,
      %mul3A_451 = arith.constant 241 : i32
      %mul3A_452 = vector.broadcast %mul3A_451 : i32 to vector<16xi32>
      %mul3A_453 = arith.muli %get3A_450, %mul3A_452 : vector<16xi32>
      %shift_right_arithmetic3A_454 = arith.constant 12 : i32
      %shift_right_arithmetic3A_455 = vector.broadcast %shift_right_arithmetic3A_454 : i32 to vector<16xi32>
      %shift_right_arithmetic3A_456 = arith.shrsi %mul3A_453, %shift_right_arithmetic3A_455 : vector<16xi32>
      %mul3A_457 = arith.constant 17 : i32
      %mul3A_458 = vector.broadcast %mul3A_457 : i32 to vector<16xi32>
      %mul3A_459 = arith.muli %shift_right_arithmetic3A_456, %mul3A_458 : vector<16xi32>
      %sub3A_460 = arith.subi %get3A_450, %mul3A_459 : vector<16xi32>
      %min3A_461 = arith.constant 14 : i32
      %min3A_462 = vector.broadcast %min3A_461 : i32 to vector<16xi32>
      %min3A_463 = arith.minsi %sub3A_460, %min3A_462 : vector<16xi32>
      %min3A_464 = arith.constant 10 : i32
      %min3A_465 = vector.broadcast %min3A_464 : i32 to vector<16xi32>
      %min3A_466 = arith.minsi %shift_right_arithmetic3A_456, %min3A_465 : vector<16xi32>
      %ge3A_467 = arith.constant 0 : i32
      %ge3A_468 = vector.broadcast %ge3A_467 : i32 to vector<16xi32>
      %ge3A_469 = arith.cmpi sge, %get3A_450, %ge3A_468 : vector<16xi32>
      %jit3A_470 = arith.constant 1.000000e+00 : f32
      %jit3A_471 = arith.constant 0.000000e+00 : f32
      %broadcast_in_dim3A_472 = vector.broadcast %jit3A_470 : f32 to vector<16xf32>
      %broadcast_in_dim3A_473 = vector.broadcast %jit3A_471 : f32 to vector<16xf32>
      %select_n3A_474 = arith.select %ge3A_469, %broadcast_in_dim3A_472, %broadcast_in_dim3A_473 : vector<16xi1>, vector<16xf32>
      %convert_element_type3A_475 = arith.sitofp %min3A_463 : vector<16xi32> to vector<16xf32>
      %mul3A_476 = arith.constant 0.0714285746 : f32
      %mul3A_477 = vector.broadcast %mul3A_476 : f32 to vector<16xf32>
      %mul3A_478 = arith.mulf %convert_element_type3A_475, %mul3A_477 : vector<16xf32>
      %convert_element_type3A_479 = arith.sitofp %min3A_466 : vector<16xi32> to vector<16xf32>
      %mul3A_480 = arith.constant 1.000000e-01 : f32
      %mul3A_481 = vector.broadcast %mul3A_480 : f32 to vector<16xf32>
      %mul3A_482 = arith.mulf %convert_element_type3A_479, %mul3A_481 : vector<16xf32>
      %mul3A_483 = arith.mulf %mul3A_478, %select_n3A_474 : vector<16xf32>
      %mul3A_484 = arith.mulf %mul3A_482, %select_n3A_474 : vector<16xf32>
      %swap3A_485 = arith.constant 8 : i32
      %swap3A_486 = arith.index_cast %swap3A_485 : i32 to index
      %swap3A_487 = arith.index_cast %mul3A_355 : i32 to index
      %swap3A_488 = tpu.vector_load %arg11[%swap3A_486, %swap3A_487] {strides = array<i32>} : memref<14x512xf32, #tpu.memory_space<vmem>>, vector<16xf32>,
      tpu.vector_store %arg11[%swap3A_486, %swap3A_487], %mul3A_447 {strides = array<i32>} : memref<14x512xf32, #tpu.memory_space<vmem>>, vector<16xf32>,
      %swap3A_489 = arith.constant 9 : i32
      %swap3A_490 = arith.index_cast %swap3A_489 : i32 to index
      %swap3A_491 = arith.index_cast %mul3A_355 : i32 to index
      %swap3A_492 = tpu.vector_load %arg11[%swap3A_490, %swap3A_491] {strides = array<i32>} : memref<14x512xf32, #tpu.memory_space<vmem>>, vector<16xf32>,
      tpu.vector_store %arg11[%swap3A_490, %swap3A_491], %mul3A_448 {strides = array<i32>} : memref<14x512xf32, #tpu.memory_space<vmem>>, vector<16xf32>,
      %swap3A_493 = arith.constant 10 : i32
      %swap3A_494 = arith.index_cast %swap3A_493 : i32 to index
      %swap3A_495 = arith.index_cast %mul3A_355 : i32 to index
      %swap3A_496 = tpu.vector_load %arg11[%swap3A_494, %swap3A_495] {strides = array<i32>} : memref<14x512xf32, #tpu.memory_space<vmem>>, vector<16xf32>,
      tpu.vector_store %arg11[%swap3A_494, %swap3A_495], %select_n3A_439 {strides = array<i32>} : memref<14x512xf32, #tpu.memory_space<vmem>>, vector<16xf32>,
      %swap3A_497 = arith.constant 11 : i32
      %swap3A_498 = arith.index_cast %swap3A_497 : i32 to index
      %swap3A_499 = arith.index_cast %mul3A_355 : i32 to index
      %swap3A_500 = tpu.vector_load %arg11[%swap3A_498, %swap3A_499] {strides = array<i32>} : memref<14x512xf32, #tpu.memory_space<vmem>>, vector<16xf32>,
      tpu.vector_store %arg11[%swap3A_498, %swap3A_499], %mul3A_483 {strides = array<i32>} : memref<14x512xf32, #tpu.memory_space<vmem>>, vector<16xf32>,
      %swap3A_501 = arith.constant 12 : i32
      %swap3A_502 = arith.index_cast %swap3A_501 : i32 to index
      %swap3A_503 = arith.index_cast %mul3A_355 : i32 to index
      %swap3A_504 = tpu.vector_load %arg11[%swap3A_502, %swap3A_503] {strides = array<i32>} : memref<14x512xf32, #tpu.memory_space<vmem>>, vector<16xf32>,
      tpu.vector_store %arg11[%swap3A_502, %swap3A_503], %mul3A_484 {strides = array<i32>} : memref<14x512xf32, #tpu.memory_space<vmem>>, vector<16xf32>,
      %swap3A_505 = arith.constant 13 : i32
      %swap3A_506 = arith.index_cast %swap3A_505 : i32 to index
      %swap3A_507 = arith.index_cast %mul3A_355 : i32 to index
      %swap3A_508 = tpu.vector_load %arg11[%swap3A_506, %swap3A_507] {strides = array<i32>} : memref<14x512xf32, #tpu.memory_space<vmem>>, vector<16xf32>,
      tpu.vector_store %arg11[%swap3A_506, %swap3A_507], %select_n3A_474 {strides = array<i32>} : memref<14x512xf32, #tpu.memory_space<vmem>>, vector<16xf32>,
    }
    %scan3A_324 = arith.constant 32 : i32
    %add3A_325 = arith.constant 0 : i32
    %add3A_326 = arith.addi %mul3A_2, %add3A_325 : i32
    %dma_start3A_327 = arith.constant 0 : i32
    %dma_start3A_328 = arith.constant 0 : i32
    %dma_start3A_329 = tpu.memref_slice %arg11[%dma_start3A_327, %dma_start3A_328] : memref<14x512xf32, #tpu.memory_space<vmem>> -> memref<14x512xf32, #tpu.memory_space<vmem>>
    %dma_start3A_330 = arith.constant 0 : i32
    %dma_start3A_331 = tpu.memref_slice %arg6[%dma_start3A_330, %add3A_326] : memref<14x16384xf32, #tpu.memory_space<hbm>> -> memref<14x512xf32, #tpu.memory_space<hbm>>
    %dma_start3A_332 = arith.constant 0 : i32
    %dma_start3A_333 = tpu.memref_slice %arg6[%dma_start3A_332, %add3A_326] : memref<14x16384xf32, #tpu.memory_space<hbm>> -> memref<14x512xf32, #tpu.memory_space<hbm>>
    %dma_start3A_334 = arith.constant 0 : i32
    %dma_start3A_335 = arith.constant 0 : i32
    %dma_start3A_336 = tpu.memref_slice %arg11[%dma_start3A_334, %dma_start3A_335] : memref<14x512xf32, #tpu.memory_space<vmem>> -> memref<14x512xf32, #tpu.memory_space<vmem>>
    tpu.enqueue_dma source(%dma_start3A_336 : memref<14x512xf32, #tpu.memory_space<vmem>>) target(%dma_start3A_333 : memref<14x512xf32, #tpu.memory_space<hbm>>) target_semaphore(%arg16 : memref<!tpu.dma_semaphore, #tpu.memory_space<semaphore_mem>>)
    %dma_wait3A_337 = arith.constant 0 : i32
    %dma_wait3A_338 = arith.constant 0 : i32
    %dma_wait3A_339 = tpu.memref_slice %arg11[%dma_wait3A_337, %dma_wait3A_338] : memref<14x512xf32, #tpu.memory_space<vmem>> -> memref<14x512xf32, #tpu.memory_space<vmem>>
    %dma_wait3A_340 = arith.constant 0 : i32
    %dma_wait3A_341 = tpu.memref_slice %arg6[%dma_wait3A_340, %add3A_326] : memref<14x16384xf32, #tpu.memory_space<hbm>> -> memref<14x512xf32, #tpu.memory_space<hbm>>
    %dma_wait3A_342 = arith.constant 0 : i32
    %dma_wait3A_343 = tpu.memref_slice %arg6[%dma_wait3A_342, %add3A_326] : memref<14x16384xf32, #tpu.memory_space<hbm>> -> memref<14x512xf32, #tpu.memory_space<hbm>>
    %dma_wait3A_344 = arith.constant 0 : i32
    %dma_wait3A_345 = arith.constant 0 : i32
    %dma_wait3A_346 = tpu.memref_slice %arg11[%dma_wait3A_344, %dma_wait3A_345] : memref<14x512xf32, #tpu.memory_space<vmem>> -> memref<14x512xf32, #tpu.memory_space<vmem>>
    tpu.wait_dma2 semaphore(%arg16 : memref<!tpu.dma_semaphore, #tpu.memory_space<semaphore_mem>>) src(%dma_wait3A_346 : memref<14x512xf32, #tpu.memory_space<vmem>>) dst(%dma_wait3A_343 : memref<14x512xf32, #tpu.memory_space<hbm>>)
    return
  }
}

</mosaic_0001>

<sc_bundles>
// kernel: kernel.3.cloned.1.call-start
scs
__scs_entry_jumppad:
0x0: {  	(pc) =	sbr.rel $0x88, $3  }
0x1: {  	(tag) =	ssettag $0x0;
	lr =	simm.s32 $0x1  }
0x2: {  	[smem:$0x3F9D] =	sst lr;
	_ =	strace $0xD0000000  }
0x3: {  	_ = 	snop  }
0x4: {  	_ = 	snop  }
0x5: {  	_ = 	snop  }
0x6: {  	_ = 	snop  }
0x7: {  	_ = 	snop  }
__scs_overlays_trampoline_lowered:
0x8: {  	[smem:$0x3FAC] =	sst s0  }
0x9: {  	[smem:$0x3FAD] =	sst s1  }
0xa: {  	[smem:$0x3FAE] =	sst s2  }
0xb: {  	[smem:$0x3FAF] =	sst s3  }
0xc: {  	[smem:$0x3FB0] =	sst s4  }
0xd: {  	[smem:$0x3FB1] =	sst s5  }
0xe: {  	[smem:$0x3FB2] =	sst s6  }
0xf: {  	[smem:$0x3FB3] =	sst s7  }
0x10: {  	[smem:$0x3FB4] =	sst s8  }
0x11: {  	[smem:$0x3FB5] =	sst s9;
	s0 =	simm.s32 @!p0 $0x0  }
0x12: {  	s1 =	sld [smem:$0x3F9B];
	s0 =	simm.s32 @p0 $0x1  }
0x13: {  	[smem:$0x3FB6] =	sst s0;
	s0 =	simm.s32 @!p1 $0x0  }
0x14: {  	s2 =	sld [smem:$0x3F9A];
	s0 =	simm.s32 @p1 $0x1  }
0x15: {  	[smem:$0x3FB7] =	sst s0;
	s0 =	simm.s32 @!p2 $0x0  }
0x16: {  	s3 =	sld [smem:$0x3FDB];
	s0 =	simm.s32 @p2 $0x1  }
0x17: {  	s4 =	simm.s32 $0x1BF5;
	[smem:$0x3FB9] =	sst s0  }
0x18: {  	s0 =	sld [smem:$0x3F9C];
	_ =	swait.ge [sflag:s4], $0x0  }
0x19: {  	s7 =	sld [smem:$0x3F9D]  }
0x1a: {  	s8 =	sadd.s32 $0xFFFFE003, lr  }
0x1b: {  	s9 =	sadd.s32 $0xFFFFFEF7, lr;
	s5 =	simm.s32 $0xFFFFFFFF;
	p2 =	slt.u32 s8, $0xFFFFF086  }
0x1c: {  	p1 =	slt.u32 s9, $0xF7A;
	s5 =	simm.s32 @!p2 $0x0  }
0x1d: {  	s5 =	simm.s32 @p1 $0x1;
	p0 =	seq.s32 s7, s2  }
0x1e: {  	s7 =	smul.u32 @!p0 $0xF7A, s2;
	p2 =	seq.s32 @!p0 s5, $0x0  }
0x1f: {  	s9 =	smul.u32 $0xF7A, s1;
	s8 =	simm.s32 @!p0 $0x1BF5;
	p2 =	por !p2, p0  }
0x20: {  	[sflag:s8] =	ssyncset.s32 @!p0 $0xFFFFF086;
	s6 =	sadd.s32 @!p0 s3, s7;
	s7 =	simm.s32 @!p0 $0x108  }
0x21: {  	s3 =	sadd.s32 s3, s9;
	s6 =	sadd.s32 @!p0 $0x88, s6;
	s7 =	simm.s32 @p2 $0x1082  }
0x22: {  	[simem:s7], [sflag:s8] =	dma.local @!p0 [hbm:s6], $0xF7A  }
0x23: {  	s9 =	sor.u32 $0xD0000000, s2;
	s6 =	simm.s32 $0x108;
	_ =	swait.ge @!p0 [sflag:s8], $0x0  }
0x24: {  	s3 =	sadd.s32 $0x88, s3;
	s6 =	simm.s32 @!p1 $0x1082;
	[sflag:s4] =	ssyncset.s32 $0xFFFFF086  }
0x25: {  	[simem:s6], [sflag:s4] =	dma.local [hbm:s3], $0xF7A  }
0x26: {  	[smem:$0x3F9D] =	sst s1;
	(tag) =	ssettag s2;
	_ =	strace s9  }
0x27: {  	s1 =	sld [smem:$0x3FAD]  }
0x28: {  	s2 =	sld [smem:$0x3FAE]  }
0x29: {  	s4 =	sld [smem:$0x3FB0]  }
0x2a: {  	p0 =	seq.s32 s5, $0x0;
	s5 =	sld [smem:$0x3FB1]  }
0x2b: {  	s6 =	sld [smem:$0x3FB2]  }
0x2c: {  	s7 =	sld [smem:$0x3FB3]  }
0x2d: {  	s3 =	simm.s32 $0x108;
	s8 =	sld [smem:$0x3FB4]  }
0x2e: {  	s3 =	simm.s32 @!p0 $0x1082;
	s9 =	sld [smem:$0x3FB5]  }
0x2f: {  	lr =	sadd.s32 s0, s3;
	s0 =	sld [smem:$0x3FAC]  }
0x30: {  	s3 =	sld [smem:$0x3FAF]  }
0x31: {  	[smem:$0x3FB8] =	sst s10  }
0x32: {  	s10 =	sld [smem:$0x3FB6];
	_ =	sdelay $0x3  }
0x33: {  	p0 =	seq.s32 s10, $0x1;
	s10 =	sld [smem:$0x3FB8];
	_ =	sdelay $0x3  }
0x34: {  	[smem:$0x3FB8] =	sst s10  }
0x35: {  	s10 =	sld [smem:$0x3FB7];
	_ =	sdelay $0x3  }
0x36: {  	p1 =	seq.s32 s10, $0x1;
	s10 =	sld [smem:$0x3FB8];
	_ =	sdelay $0x3  }
0x37: {  	[smem:$0x3FB8] =	sst s10  }
0x38: {  	s10 =	sld [smem:$0x3FB9]  }
0x39: {  	_ = 	snop;
	(pc) =	sbr.ind lr, $3  }
0x3a: {  	_ = 	snop  }
0x3b: {  	_ = 	snop  }
0x3c: {  	p2 =	seq.s32 s10, $0x1;
	s10 =	sld [smem:$0x3FB8]  }
0x3d: {  	_ =	shalt  }
0x3e: {  	_ =	shalt  }
0x3f: {  	_ =	shalt  }
0x40: {  	_ =	shalt  }
0x41: {  	_ =	shalt  }
0x42: {  	_ =	shalt  }
0x43: {  	_ =	shalt  }
0x44: {  	_ =	shalt  }
0x45: {  	_ =	shalt  }
0x46: {  	_ =	shalt  }
0x47: {  	_ =	shalt  }
0x48: {  	_ =	shalt  }
0x49: {  	_ =	shalt  }
0x4a: {  	_ =	shalt  }
0x4b: {  	_ =	shalt  }
0x4c: {  	_ =	shalt  }
0x4d: {  	_ =	shalt  }
0x4e: {  	_ =	shalt  }
0x4f: {  	_ =	shalt  }
0x50: {  	_ =	shalt  }
0x51: {  	_ =	shalt  }
0x52: {  	_ =	shalt  }
0x53: {  	_ =	shalt  }
0x54: {  	_ =	shalt  }
0x55: {  	_ =	shalt  }
0x56: {  	_ =	shalt  }
0x57: {  	_ =	shalt  }
0x58: {  	_ =	shalt  }
0x59: {  	_ =	shalt  }
0x5a: {  	_ =	shalt  }
0x5b: {  	_ =	shalt  }
0x5c: {  	_ =	shalt  }
0x5d: {  	_ =	shalt  }
0x5e: {  	_ =	shalt  }
0x5f: {  	_ =	shalt  }
0x60: {  	_ =	shalt  }
0x61: {  	_ =	shalt  }
0x62: {  	_ =	shalt  }
0x63: {  	_ =	shalt  }
0x64: {  	_ =	shalt  }
0x65: {  	_ =	shalt  }
0x66: {  	_ =	shalt  }
0x67: {  	_ =	shalt  }
0x68: {  	_ =	shalt  }
0x69: {  	_ =	shalt  }
0x6a: {  	_ =	shalt  }
0x6b: {  	_ =	shalt  }
0x6c: {  	_ =	shalt  }
0x6d: {  	_ =	shalt  }
0x6e: {  	_ =	shalt  }
0x6f: {  	_ =	shalt  }
0x70: {  	_ =	shalt  }
0x71: {  	_ =	shalt  }
0x72: {  	_ =	shalt  }
0x73: {  	_ =	shalt  }
0x74: {  	_ =	shalt  }
0x75: {  	_ =	shalt  }
0x76: {  	_ =	shalt  }
0x77: {  	_ =	shalt  }
0x78: {  	_ =	shalt  }
0x79: {  	_ =	shalt  }
0x7a: {  	_ =	shalt  }
0x7b: {  	_ =	shalt  }
0x7c: {  	_ =	shalt  }
0x7d: {  	_ =	shalt  }
0x7e: {  	_ =	shalt  }
0x7f: {  	_ =	shalt  }
0x80: {  	_ =	shalt  }
0x81: {  	_ =	shalt  }
0x82: {  	_ =	shalt  }
0x83: {  	_ =	shalt  }
0x84: {  	_ =	shalt  }
0x85: {  	_ =	shalt  }
0x86: {  	_ =	shalt  }
0x87: {  	_ =	shalt  }
.Lfunc_end0:
.L_simem_size_0:
called_computation_lowered:
.L_overlay_start_0:
0x88: {  	s2 =	sld [smem:$0x3FD9]  }
0x89: {  	s3 =	sld [smem:$0x3FFE];
	_ =	sdelay $0x1  }
0x8a: {  	s1 =	srdreg.scid  }
0x8b: {  	s0 =	sand.u32 $0x1, s1  }
0x8c: {  	s18 =	sshll.u32 s0, $0xA;
	s2 =	sadd.s32 s3, s2  }
0x8d: {  	s2 =	sadd.s32 s2, s18  }
0x8e: {  	[smem:$0x3FC4] =	sst s2  }
0x8f: {  	_ = 	snop  }
0x90: {  	s2 =	sld [smem:$0x3FC9]  }
0x91: {  	s19 =	sld [smem:$0x3FC8]  }
0x92: {  	s4 =	sld [smem:$0x3FC7]  }
0x93: {  	s5 =	sld [smem:$0x3FC6]  }
0x94: {  	s6 =	sld [smem:$0x3FD0];
	(tm) =	ssettm $0x1  }
0x95: {  	s7 =	sld [smem:$0x3FFB];
	_ =	sdelay $0x3  }
0x96: {  	_ =	strace s7  }
0x97: {  	s7 =	sld [smem:$0x3FFC];
	_ =	sdelay $0x3  }
0x98: {  	_ =	strace s7  }
0x99: {  	s7 =	sld [smem:$0x3FFD];
	_ =	sdelay $0x3  }
0x9a: {  	_ =	strace s7  }
0x9b: {  	_ =	strace $0x8FFFFFFF  }
0x9c: {  	s20 =	sld [smem:$0x3FDB];
	_ =	sdelay $0x1  }
0x9d: {  	s8 =	simm.s32 $_scs_section_size  }
0x9e: {  	s9 =	simm.s32 $_size__tile_overlayer_lowered;
	s10 =	simm.s32 $_tile_overlayer_lowered  }
0x9f: {  	s23 =	simm.s32 $0x1BFF;
	s22 =	sshll.u32 s10, $0x1;
	s7 =	sadd.s32 s8, s20  }
0xa0: {  	s11 =	simm.s32 $0x0;
	s21 =	sshll.u32 s9, $0x1;
	s9 =	sadd.s32 s22, s7  }
0xa1: {  	[timem:s11], [sflag:s23] =	dma.local [hbm:s9], s21  }
0xa2: {  	_ =	swait.ge [sflag:s23], s21  }
0xa3: {  	s8 =	ssub.s32 $0x0, s21;
	[sflag:s23] =	ssyncset.done $0x0  }
0xa4: {  	[sflag:s23] =	ssyncadd.s32 s8;
	_ =	sdelay $0x1  }
0xa5: {  	s24 =	simm.s32 $0x1B8B  }
0xa6: {  	_ =	swait.ge [sflag:s24], $0x1  }
0xa7: {  	[sflag:s24] =	ssyncset.done $0x0  }
0xa8: {  	s25 =	simm.s32 $0x1B8E;
	[sflag:s24] =	ssyncadd.s32 $0xFFFFFFFF  }
0xa9: {  	s26 =	simm.s32 $execute0_lowered;
	[smem:$0x3FD2] =	sst s25  }
0xaa: {  	s8 =	sshll.u32 s26, $0x1;
	_ =	strace $0x80000046;
	[dreg:$0x1] =	wrdreg $0xFFFFFFFF  }
0xab: {  	s28 =	simm.s32 $_size_execute0_lowered;
	s7 =	sadd.s32 s7, s8;
	[dreg:$0x0] =	wrdreg $0x0  }
0xac: {  	s8 =	sshll.u32 s28, $0x1;
	[dreg:$0x2] =	wrdreg s7  }
0xad: {  	[dreg:$0x3] =	wrdreg s8  }
0xae: {  	[dreg:$0x4] =	wrdreg $0xC0  }
0xaf: {  	_ =	task [dreg:s11], $0x5FFFF  }
0xb0: {  	[dreg:$0x1] =	wrdreg $0xFFFFFFFF  }
0xb1: {  	[dreg:$0x0] =	wrdreg $0x60  }
0xb2: {  	[dreg:$0x2] =	wrdreg s2  }
0xb3: {  	[dreg:$0x3] =	wrdreg s19  }
0xb4: {  	[dreg:$0x4] =	wrdreg s4  }
0xb5: {  	[dreg:$0x5] =	wrdreg s5  }
0xb6: {  	[dreg:$0x6] =	wrdreg s6  }
0xb7: {  	[dreg:$0x7] =	wrdreg $0x9  }
0xb8: {  	_ =	task.clear_ibuf [dreg:s11], $0x8FFFF;
	_ =	strace $0x90000046  }
0xb9: {  	s29 =	simm.s32 $0x9;
	_ =	strace $0x80000048  }
0xba: {  	_ =	swait.ge [sflag:s29], $0x1  }
0xbb: {  	[sflag:s29] =	ssyncadd.s32 $0xFFFFFFFF  }
0xbc: {  	_ =	strace $0x90000048  }
0xbd: {  	_ =	sfence  }
0xbe: {  	s30 =	sld [smem:$0x0];
	_ =	sdelay $0x2  }
0xbf: {  	s31 =	sshll.u32 s1, $0xD;
	s1 =	sshrl.u32 s1, $0x2  }
0xc0: {  	s3 =	sand.u32 $0x4000, s31;
	s1 =	sadd.s32 s1, s30  }
0xc1: {  	s0 =	sor.u32 s3, s0;
	s1 =	sshll.u32 s1, $0x11  }
0xc2: {  	s0 =	sor.u32 s1, s0  }
0xc3: {  	s0 =	sadd.s32 $0x8F2B, s0  }
0xc4: {  	[sflag:s0] =	ssyncadd.remote.s32 $0x1  }
0xc5: {  	_ =	sfence.sel $0xFFFF  }
0xc6: {  	[dreg:$0x0] =	wrdreg $0xFFFFFFFF;
	(pc) =	sbr.abs _section_cstart, $3  }
0xc7: {  	[dreg:$0x1] =	wrdreg $0xFFFFFFFF  }
0xc8: {  	_ =	task.clear_ibuf [dreg:s11], $0x2FFFF;
	_ =	strace $0x9FFFFFFF  }
0xc9: {  	(tm) =	ssettm $0x7FFFFFFF  }
tec
execute0_lowered:
.L_overlay_start_1:
0x0: {  	(tag) =	ssettag $0x1  }
0x1: {  	s0 =	rddreg [dreg:$0x0]  }
0x2: {  	s1 =	rddreg [dreg:$0x1]  }
0x3: {  	s6 =	rddreg [dreg:$0x2]  }
0x4: {  	s2 =	rddreg [dreg:$0x3]  }
0x5: {  	s3 =	srdreg.scid;
	s10 =	rddreg [dreg:$0x4]  }
0x6: {  	s5 =	stileid.u32;
	s13 =	simm.s32 $0x600;
	s14 =	simm.s32 $0x608  }
0x7: {  	s15 =	simm.s32 $0x680;
	s16 =	simm.s32 $0x688;
	s17 =	simm.s32 $0x1  }
0x8: {  	s18 =	simm.s32 $0x2;
	s19 =	simm.s32 $0x3;
	s20 =	simm.s32 $0x4  }
0x9: {  	s22 =	simm.s32 $0x20000;
	s23 =	simm.s32 $0x700;
	s24 =	simm.s32 $0x5  }
0xa: {  	s25 =	simm.s32 $0x0;
	s4 =	sand.u32 $0x1, s3;
	s5 =	sshll.u32 s5, $0xA  }
0xb: {  	s3 =	simm.s32 $0x0;
	s8 =	sadd.s32 $0x20, s2;
	s9 =	sadd.s32 $0x30, s2  }
0xc: {  	s7 =	sshll.u32 s4, $0x9;
	s4 =	ssub.s32 $0x2, s4;
	[smem:$0x7FF] =	sst s3  }
0xd: {  	s11 =	sor.u32 s7, s5;
	s31 =	sshrl.u32 s4, $0x1;
	_ =	strace $0x80000047  }
0xe: {  	s7 =	sshrl.u32 s11, $0x3;
	s12 =	ssub.s32 s4, s31;
	s10 =	sadd.s32 s10, s11  }
0xf: {  	s4 =	sadd.s32 s0, s7;
	s5 =	sadd.s32 s1, s7;
	s6 =	sadd.s32 s6, s7  }
0x10: {  	v0 =	vimm.f32 $0.0e+00;
	s7 =	sadd.s32 $0x10, s2;
	s11 =	smax.u32 s12, $0x1;
	s12 =	simm.s32 $0x80  }
.LBB2_1:
0x11: {  	[tilespmem:s3], [sflag:$0x1] =	stream.linear.gather [hbm4b:s4+s3], $0x200, $0x38;
	[tilespmem:$0x2700] =	vst v63  }
0x12: {  	s26 =	simm.s32 $0x200  }
0x13: {  	[tilespmem:s26], [sflag:$0x2] =	stream.linear.gather [hbm4b:s5+s3], $0x200, $0x38;
	[tilespmem:$0x2700] =	vst v63  }
0x14: {  	s28 =	simm.s32 $0x400  }
0x15: {  	[tilespmem:s28], [sflag:$0x3] =	stream.linear.gather [hbm4b:s6+s3], $0x200, $0x38;
	[tilespmem:$0x2700] =	vst v63  }
0x16: {  	_ = 	snop  }
0x17: {  	[tilespmem:s13], [sflag:$0x4] =	stream.strided.gather [hbm4b:s2+s12], $0x0, s26, s12, $0x38;
	[tilespmem:$0x2700] =	vst v63  }
0x18: {  	_ = 	snop  }
0x19: {  	[tilespmem:s13], [sflag:$0x4] =	stream.linear.gather [hbm4b:s2+s3], $0x8, $0x38;
	[tilespmem:$0x2700] =	vst v63  }
0x1a: {  	_ = 	snop  }
0x1b: {  	[tilespmem:s14], [sflag:$0x4] =	stream.strided.gather [hbm4b:s7+s12], $0x0, s26, s12, $0x38;
	[tilespmem:$0x2700] =	vst v63  }
0x1c: {  	_ = 	snop  }
0x1d: {  	[tilespmem:s14], [sflag:$0x4] =	stream.linear.gather [hbm4b:s7+s3], $0x8, $0x38;
	[tilespmem:$0x2700] =	vst v63  }
0x1e: {  	_ = 	snop  }
0x1f: {  	[tilespmem:s15], [sflag:$0x4] =	stream.strided.gather [hbm4b:s8+s12], $0x0, s26, s12, $0x38;
	[tilespmem:$0x2700] =	vst v63  }
0x20: {  	_ = 	snop  }
0x21: {  	[tilespmem:s15], [sflag:$0x4] =	stream.linear.gather [hbm4b:s8+s3], $0x8, $0x38;
	[tilespmem:$0x2700] =	vst v63  }
0x22: {  	_ = 	snop  }
0x23: {  	[tilespmem:s16], [sflag:$0x4] =	stream.strided.gather [hbm4b:s9+s12], $0x0, s26, s12, $0x38;
	[tilespmem:$0x2700] =	vst v63  }
0x24: {  	_ = 	snop  }
0x25: {  	[tilespmem:s16], [sflag:$0x4] =	stream.linear.gather [hbm4b:s9+s3], $0x8, $0x38;
	[tilespmem:$0x2700] =	vst v63  }
0x26: {  	_ =	swait.ge [sflag:s17], $0x200  }
0x27: {  	[sflag:s17] =	ssyncset.done $0x0  }
0x28: {  	[sflag:s17] =	ssyncadd.s32 $0xFFFFFE00  }
0x29: {  	_ =	swait.ge [sflag:s18], $0x200  }
0x2a: {  	[sflag:s18] =	ssyncset.done $0x0  }
0x2b: {  	[sflag:s18] =	ssyncadd.s32 $0xFFFFFE00  }
0x2c: {  	_ =	swait.ge [sflag:s19], $0x200  }
0x2d: {  	[sflag:s19] =	ssyncset.done $0x0  }
0x2e: {  	[sflag:s19] =	ssyncadd.s32 $0xFFFFFE00  }
0x2f: {  	_ =	swait.ge [sflag:s20], $0x8  }
0x30: {  	[sflag:s20] =	ssyncset.done $0x0  }
0x31: {  	[sflag:s20] =	ssyncadd.s32 $0xFFFFFFF8  }
0x32: {  	_ =	swait.ge [sflag:s20], $0x8  }
0x33: {  	[sflag:s20] =	ssyncset.done $0x0  }
0x34: {  	[sflag:s20] =	ssyncadd.s32 $0xFFFFFFF8  }
0x35: {  	_ =	swait.ge [sflag:s20], $0x8  }
0x36: {  	[sflag:s20] =	ssyncset.done $0x0  }
0x37: {  	[sflag:s20] =	ssyncadd.s32 $0xFFFFFFF8  }
0x38: {  	_ =	swait.ge [sflag:s20], $0x8  }
0x39: {  	[sflag:s20] =	ssyncset.done $0x0  }
0x3a: {  	[sflag:s20] =	ssyncadd.s32 $0xFFFFFFF8  }
0x3b: {  	v1 =	vld [tilespmem:$0x600];
	_ =	sdelay $0x4  }
0x3c: {  	v5 =	vadd.f32 $0.0e+00, v1;
	_ =	sdelay $0x1  }
0x3d: {  	v13 =	vbroadcast v5, $0x0  }
0x3e: {  	v7 =	vld [tilespmem:$0x680];
	v10 =	vbroadcast v5, $0x1;
	v9 =	vbroadcast v5, $0x2  }
0x3f: {  	v6 =	vbroadcast v5, $0x3;
	v4 =	vbroadcast v5, $0x4  }
0x40: {  	v3 =	vbroadcast v5, $0x5;
	v2 =	vbroadcast v5, $0x6  }
0x41: {  	v1 =	vbroadcast v5, $0x7;
	v22 =	vbroadcast v5, $0x8  }
0x42: {  	v18 =	vbroadcast v5, $0x9;
	v16 =	vbroadcast v5, $0xA  }
0x43: {  	v20 =	vadd.f32 $0.0e+00, v7;
	v14 =	vbroadcast v5, $0xB;
	v11 =	vbroadcast v5, $0xC  }
0x44: {  	v8 =	vbroadcast v5, $0xD;
	v7 =	vbroadcast v5, $0xE  }
0x45: {  	v33 =	vld [tilespmem:s3+$0x0];
	v5 =	vbroadcast v5, $0xF;
	v29 =	vbroadcast v20, $0x0  }
0x46: {  	v26 =	vbroadcast v20, $0x1;
	v24 =	vbroadcast v20, $0x2  }
0x47: {  	v21 =	vbroadcast v20, $0x3;
	v19 =	vbroadcast v20, $0x4  }
0x48: {  	v17 =	vbroadcast v20, $0x5;
	v15 =	vbroadcast v20, $0x6  }
0x49: {  	v12 =	vbroadcast v20, $0x7;
	v32 =	vbroadcast v20, $0x8  }
0x4a: {  	v34 =	vand.u32 $0x1, v33;
	v31 =	vbroadcast v20, $0x9;
	v30 =	vbroadcast v20, $0xA  }
0x4b: {  	vm0 =	vgt.s32 v33, $0x1;
	v28 =	vbroadcast v20, $0xB;
	v27 =	vbroadcast v20, $0xC  }
0x4c: {  	vm1 =	veq.s32 v34, $0x0;
	v25 =	vbroadcast v20, $0xD;
	v23 =	vbroadcast v20, $0xE  }
0x4d: {  	s0 =	sand.u32 $0x70, s3;
	s1 =	sand.u32 $0xC00, s3;
	v20 =	vbroadcast v20, $0xF;
	v63 =	vsel vm1, v13, v22;
	v34 =	vsel vm1, v29, v32  }
0x4e: {  	s0 =	sor.u32 s0, s1;
	v36 =	vsel vm1, v10, v18;
	v35 =	vsel vm1, v26, v31;
	v33 =	vsel vm0, v34, v63  }
0x4f: {  	v38 =	vsel vm1, v9, v16;
	v39 =	vsel vm1, v24, v30;
	v37 =	vsel vm0, v35, v36;
	[tilespmem:s0+$0x700] =	vst v33  }
0x50: {  	v41 =	vsel vm1, v6, v14;
	v42 =	vsel vm1, v21, v28;
	v40 =	vsel vm0, v39, v38;
	[tilespmem:s0+$0x780] =	vst v37  }
0x51: {  	v44 =	vsel vm1, v4, v11;
	v45 =	vsel vm1, v19, v27;
	v43 =	vsel vm0, v42, v41;
	[tilespmem:s0+$0x800] =	vst v40  }
0x52: {  	v47 =	vsel vm1, v3, v8;
	v48 =	vsel vm1, v17, v25;
	v46 =	vsel vm0, v45, v44;
	[tilespmem:s0+$0x880] =	vst v43  }
0x53: {  	v50 =	vsel vm1, v2, v7;
	v51 =	vsel vm1, v15, v23;
	v49 =	vsel vm0, v48, v47;
	[tilespmem:s0+$0x900] =	vst v46  }
0x54: {  	s21 =	sor.u32 s3, s3;
	v53 =	vsel vm1, v1, v5;
	v54 =	vsel vm1, v12, v20;
	v52 =	vsel vm0, v51, v50;
	[tilespmem:s0+$0x980] =	vst v49  }
0x55: {  	s1 =	sor.u32 $0x380, s21;
	v55 =	vsel vm0, v54, v53;
	[tilespmem:s0+$0xA00] =	vst v52  }
0x56: {  	[tilespmem:s1+$0x700] =	vst v55  }
0x57: {  	v33 =	vld [tilespmem:s26+$0x0]  }
0x58: {  	v56 =	vld [tilespmem:s28+$0x0];
	_ =	sdelay $0x3  }
0x59: {  	v57 =	vmul.u32 $0xF1, v33  }
0x5a: {  	v36 =	vmul.u32 $0xF1, v56  }
0x5b: {  	vm0 =	vgt.s32 v33, $0xFFFFFFFF;
	v35 =	vshra.s32 v57, $0xC  }
0x5c: {  	v38 =	vsel vm0, $0x3F800000, v0;
	v36 =	vshra.s32 v36, $0xC;
	v37 =	vmul.u32 $0xFFFFFFEF, v35  }
0x5d: {  	vm1 =	vlt.s32 v35, $0xA;
	v39 =	vmul.u32 $0xFFFFFFEF, v36;
	vm0 =	vlt.s32 v36, $0xA  }
0x5e: {  	v35 =	vnsel vm1, $0xA, v35;
	v36 =	vnsel vm0, $0xA, v36;
	v33 =	vadd.s32 v33, v37  }
0x5f: {  	v35 =	vcvt.s32.f32 v35;
	v58 =	vadd.s32 v56, v39;
	vm0 =	vlt.s32 v33, $0xE  }
0x60: {  	v36 =	vcvt.s32.f32 v36;
	v33 =	vnsel vm0, $0xE, v33;
	vm0 =	vlt.s32 v58, $0xE  }
0x61: {  	v35 =	vmul.f32 $1.000000010e-01, v35;
	v33 =	vcvt.s32.f32 v33;
	v37 =	vnsel vm0, $0xE, v58  }
0x62: {  	v59 =	vmul.f32 $1.000000010e-01, v36;
	vm0 =	vgt.s32 v56, $0xFFFFFFFF;
	v60 =	vcvt.s32.f32 v37  }
0x63: {  	[tilespmem:s0+$0x1800] =	vst v38;
	v61 =	vsel vm0, $0x3F800000, v0;
	v35 =	vmul.f32 v35, v38;
	v33 =	vmul.f32 $7.142857460e-02, v33  }
0x64: {  	[tilespmem:s0+$0x1980] =	vst v61;
	v34 =	vmul.f32 v59, v61;
	v36 =	vmul.f32 $7.142857460e-02, v60  }
0x65: {  	[tilespmem:s0+$0x1780] =	vst v35;
	v33 =	vmul.f32 v33, v38  }
0x66: {  	[tilespmem:s0+$0x1900] =	vst v34;
	v62 =	vmul.f32 v36, v61  }
0x67: {  	[tilespmem:s0+$0x1700] =	vst v33  }
0x68: {  	s29 =	simm.s32 $0x10;
	[tilespmem:s0+$0x1880] =	vst v62  }
0x69: {  	v33 =	vld [tilespmem:s29+$0x0];
	_ =	sdelay $0x4  }
0x6a: {  	v63 =	vand.u32 $0x1, v33  }
0x6b: {  	s30 =	simm.s32 $0x80;
	s31 =	simm.s32 $0x20;
	vm1 =	veq.s32 v63, $0x0  }
0x6c: {  	s21 =	sand.u32 $0xC00, s30;
	s1 =	sand.u32 $0x70, s29;
	s0 =	simm.s32 $0x10;
	vm0 =	vgt.s32 v33, $0x1;
	v33 =	vsel vm1, v13, v22;
	v34 =	vsel vm1, v29, v32  }
.LBB2_2:
0x6d: {  	p0 =	sne.s32 s31, $0x1F0;
	v33 =	vsel vm0, v34, v33;
	s1 =	sor.u32 s1, s21;
	v34 =	vsel vm1, v10, v18;
	v35 =	vsel vm1, v26, v31  }
0x6e: {  	[tilespmem:s1+$0x700] =	vst v33;
	v33 =	vsel vm0, v35, v34;
	v34 =	vsel vm1, v9, v16;
	v35 =	vsel vm1, v24, v30  }
0x6f: {  	[tilespmem:s1+$0x780] =	vst v33;
	v33 =	vsel vm0, v35, v34;
	v34 =	vsel vm1, v6, v14;
	v35 =	vsel vm1, v21, v28  }
0x70: {  	[tilespmem:s1+$0x800] =	vst v33;
	v33 =	vsel vm0, v35, v34;
	v34 =	vsel vm1, v4, v11;
	v35 =	vsel vm1, v19, v27  }
0x71: {  	[tilespmem:s1+$0x880] =	vst v33;
	v33 =	vsel vm0, v35, v34;
	v34 =	vsel vm1, v3, v8;
	v35 =	vsel vm1, v17, v25  }
0x72: {  	[tilespmem:s1+$0x900] =	vst v33;
	v33 =	vsel vm0, v35, v34;
	v34 =	vsel vm1, v2, v7;
	v35 =	vsel vm1, v15, v23  }
0x73: {  	s21 =	sor.u32 s30, s29;
	s29 =	smov.u32 s31;
	[tilespmem:s1+$0x980] =	vst v33;
	v33 =	vsel vm0, v35, v34;
	v34 =	vsel vm1, v1, v5;
	v35 =	vsel vm1, v12, v20  }
0x74: {  	s21 =	sor.u32 $0x380, s21;
	[tilespmem:s1+$0xA00] =	vst v33;
	v33 =	vsel vm0, v35, v34  }
0x75: {  	s26 =	sadd.s32 $0x10, s26;
	[tilespmem:s21+$0x700] =	vst v33  }
0x76: {  	s28 =	sadd.s32 $0x10, s28;
	v33 =	vld [tilespmem:s26+$0x0]  }
0x77: {  	v34 =	vld [tilespmem:s28+$0x0];
	_ =	sdelay $0x3  }
0x78: {  	v35 =	vmul.u32 $0xF1, v33;
	vm0 =	vgt.s32 v33, $0xFFFFFFFF  }
0x79: {  	v36 =	vsel vm0, $0x3F800000, v0;
	v37 =	vmul.u32 $0xF1, v34;
	vm0 =	vgt.s32 v34, $0xFFFFFFFF  }
0x7a: {  	v35 =	vshra.s32 v35, $0xC;
	v38 =	vsel vm0, $0x3F800000, v0;
	[tilespmem:s1+$0x1800] =	vst v36  }
0x7b: {  	v39 =	vmul.u32 $0xFFFFFFEF, v35;
	vm0 =	vlt.s32 v35, $0xA;
	v37 =	vshra.s32 v37, $0xC;
	[tilespmem:s1+$0x1980] =	vst v38  }
0x7c: {  	v35 =	vnsel vm0, $0xA, v35;
	v40 =	vmul.u32 $0xFFFFFFEF, v37;
	vm0 =	vlt.s32 v37, $0xA  }
0x7d: {  	v33 =	vadd.s32 v33, v39;
	v35 =	vcvt.s32.f32 v35;
	v37 =	vnsel vm0, $0xA, v37  }
0x7e: {  	vm0 =	vlt.s32 v33, $0xE;
	v34 =	vadd.s32 v34, v40;
	v37 =	vcvt.s32.f32 v37  }
0x7f: {  	v33 =	vnsel vm0, $0xE, v33;
	v35 =	vmul.f32 $1.000000010e-01, v35;
	vm0 =	vlt.s32 v34, $0xE  }
0x80: {  	v33 =	vcvt.s32.f32 v33;
	v34 =	vnsel vm0, $0xE, v34;
	v37 =	vmul.f32 $1.000000010e-01, v37  }
0x81: {  	v35 =	vmul.f32 v35, v36;
	v34 =	vcvt.s32.f32 v34  }
0x82: {  	v33 =	vmul.f32 $7.142857460e-02, v33;
	v37 =	vmul.f32 v37, v38  }
0x83: {  	v34 =	vmul.f32 $7.142857460e-02, v34;
	[tilespmem:s1+$0x1780] =	vst v35  }
0x84: {  	v33 =	vmul.f32 v33, v36;
	[tilespmem:s1+$0x1900] =	vst v37  }
0x85: {  	v34 =	vmul.f32 v34, v38  }
0x86: {  	[tilespmem:s1+$0x1700] =	vst v33  }
0x87: {  	s0 =	sadd.s32 $0x10, s0;
	[tilespmem:s1+$0x1880] =	vst v34  }
0x88: {  	v33 =	vld [tilespmem:s0+$0x0];
	_ =	sdelay $0x2  }
.Ltmp0:
0x89: {  	(pc) =	sbr.rel @p0 .LBB2_2-.Ltmp0, $4  }
0x8a: {  	_ = 	snop  }
0x8b: {  	v34 =	vand.u32 $0x1, v33  }
0x8c: {  	s30 =	sadd.s32 $0x80, s30;
	vm1 =	veq.s32 v34, $0x0  }
0x8d: {  	s31 =	sadd.s32 $0x10, s31;
	s21 =	sand.u32 $0xC00, s30;
	s1 =	sand.u32 $0x70, s29;
	vm0 =	vgt.s32 v33, $0x1;
	v33 =	vsel vm1, v13, v22;
	v34 =	vsel vm1, v29, v32  }
0x8e: {  	v13 =	vsel vm0, v34, v33;
	s0 =	sor.u32 s1, s21;
	v10 =	vsel vm1, v10, v18;
	v51 =	vsel vm1, v26, v31  }
0x8f: {  	v9 =	vsel vm1, v9, v16;
	v52 =	vsel vm1, v24, v30;
	[tilespmem:s0+$0x700] =	vst v13;
	v10 =	vsel vm0, v51, v10  }
0x90: {  	v6 =	vsel vm1, v6, v14;
	v53 =	vsel vm1, v21, v28;
	v9 =	vsel vm0, v52, v9;
	[tilespmem:s0+$0x780] =	vst v10  }
0x91: {  	v4 =	vsel vm1, v4, v11;
	v54 =	vsel vm1, v19, v27;
	v6 =	vsel vm0, v53, v6;
	[tilespmem:s0+$0x800] =	vst v9  }
0x92: {  	v3 =	vsel vm1, v3, v8;
	v55 =	vsel vm1, v17, v25;
	v4 =	vsel vm0, v54, v4;
	[tilespmem:s0+$0x880] =	vst v6  }
0x93: {  	v2 =	vsel vm1, v2, v7;
	v56 =	vsel vm1, v15, v23;
	v3 =	vsel vm0, v55, v3;
	[tilespmem:s0+$0x900] =	vst v4  }
0x94: {  	v1 =	vsel vm1, v1, v5;
	s21 =	sor.u32 s30, s29;
	v2 =	vsel vm0, v56, v2;
	[tilespmem:s0+$0x980] =	vst v3;
	v3 =	vsel vm1, v12, v20  }
0x95: {  	s1 =	sor.u32 $0x380, s21;
	[tilespmem:s0+$0xA00] =	vst v2;
	v1 =	vsel vm0, v3, v1  }
0x96: {  	s29 =	sadd.s32 $0x10, s26;
	[tilespmem:s1+$0x700] =	vst v1  }
0x97: {  	s30 =	sadd.s32 $0x10, s28;
	v1 =	vld [tilespmem:s29+$0x0]  }
0x98: {  	v2 =	vld [tilespmem:s30+$0x0];
	_ =	sdelay $0x3  }
0x99: {  	v3 =	vmul.u32 $0xF1, v1  }
0x9a: {  	v57 =	vmul.u32 $0xF1, v2  }
0x9b: {  	vm10 =	vgt.s32 v1, $0xFFFFFFFF;
	v3 =	vshra.s32 v3, $0xC  }
0x9c: {  	vm15 =	vgt.s32 v2, $0xFFFFFFFF;
	v4 =	vshra.s32 v57, $0xC;
	v58 =	vmul.u32 $0xFFFFFFEF, v3  }
0x9d: {  	vm11 =	vlt.s32 v3, $0xA;
	v60 =	vmul.u32 $0xFFFFFFEF, v4;
	vm12 =	vlt.s32 v4, $0xA  }
0x9e: {  	v3 =	vnsel vm11, $0xA, v3;
	v4 =	vnsel vm12, $0xA, v4;
	v1 =	vadd.s32 v1, v58  }
0x9f: {  	v3 =	vcvt.s32.f32 v3;
	v61 =	vadd.s32 v2, v60;
	vm13 =	vlt.s32 v1, $0xE  }
0xa0: {  	v4 =	vcvt.s32.f32 v4;
	vm14 =	vlt.s32 v61, $0xE;
	v1 =	vnsel vm13, $0xE, v1  }
0xa1: {  	v3 =	vmul.f32 $1.000000010e-01, v3;
	v5 =	vnsel vm14, $0xE, v61;
	v1 =	vcvt.s32.f32 v1  }
0xa2: {  	v59 =	vsel vm10, $0x3F800000, v0;
	v2 =	vmul.f32 $1.000000010e-01, v4;
	v62 =	vcvt.s32.f32 v5  }
0xa3: {  	v63 =	vsel vm15, $0x3F800000, v0;
	[tilespmem:s0+$0x1800] =	vst v59;
	v3 =	vmul.f32 v3, v59;
	v1 =	vmul.f32 $7.142857460e-02, v1  }
0xa4: {  	[tilespmem:s0+$0x1980] =	vst v63;
	v2 =	vmul.f32 v2, v63;
	v4 =	vmul.f32 $7.142857460e-02, v62  }
0xa5: {  	[tilespmem:s0+$0x1780] =	vst v3;
	v1 =	vmul.f32 v1, v59  }
0xa6: {  	s25 =	sadd.s32 $0x1, s25;
	[tilespmem:s0+$0x1900] =	vst v2;
	v2 =	vmul.f32 v4, v63  }
0xa7: {  	p0 =	sne.s32 s25, s11;
	[tilespmem:s0+$0x1700] =	vst v1  }
.Ltmp1:
0xa8: {  	s31 =	simm.s32 $0x1000;
	[tilespmem:s0+$0x1880] =	vst v2;
	(pc) =	sbr.rel @p0 .LBB2_1-.Ltmp1, $4  }
0xa9: {  	[hbm4b:s10+s31] =	stream.strided.scatter [tilespmem:s23], [sflag:$0x5], $0x2000, s22, s31, $0x38;
	[tilespmem:$0x2700] =	vst v63  }
0xaa: {  	_ =	swait.ge [sflag:s24], $0x2000  }
0xab: {  	[sflag:s24] =	ssyncset.done $0x0  }
0xac: {  	[sflag:s24] =	ssyncadd.s32 $0xFFFFE000  }
0xad: {  	_ =	sfence.sel $0x180000  }
0xae: {  	[bflag:$0x0] =	sbarrier.arrive $0xFFFF  }
0xaf: {  	_ =	strace $0x90000047  }
0xb0: {  	s0 =	stileid.u32;
	[bflag:$0x2] =	sbarrier.arrive $0xFFFF  }
0xb1: {  	p0 =	sne.s32 s0, $0x0;
	s0 =	rddreg [dreg:$0x5]  }
0xb2: {  	s0 =	sadd.s32 @!p0 $0x100000, s0  }
0xb3: {  	[sflag:s0] =	ssyncadd.tile.s32 @!p0 $0x1;
	_ =	shalt  }
.Lfunc_end2:
_tile_overlayer_lowered:
.L_overlay_start_2:
0xb4: {  	(tag) =	ssettag $0x2  }
0xb5: {  	s0 =	rddreg [dreg:$0x0];
	s2 =	stileid.u32  }
0xb6: {  	s1 =	rddreg [dreg:$0x1];
	p0 =	sne.s32 s2, $0x0  }
0xb7: {  	s3 =	rddreg [dreg:$0x2];
	[bflag:$0x3] =	sbarrier.arrive $0xFFFF;
	s2 =	simm.s32 @!p0 $0x1C06  }
0xb8: {  	[timem:s3], [sflag:s2] =	dma.local @!p0 [hbm:s0], s1  }
0xb9: {  	s0 =	simm.s32 @!p0 $0x6  }
0xba: {  	_ =	swait.ge @!p0 [sflag:s0], s1  }
0xbb: {  	s1 =	ssub.s32 @!p0 $0x0, s1;
	[sflag:s0] =	ssyncset.done @!p0 $0x0  }
0xbc: {  	[sflag:s0] =	ssyncadd.s32 @!p0 s1  }
0xbd: {  	[bflag:$0x3] =	sbarrier.arrive $0xFFFF  }
0xbe: {  	_ =	shalt  }

</sc_bundles>
